<compile_context>
chip_gen: v7x
topology: tpu7x:2x2x1
jax: 0.10.2.dev20260603
libtpu: 0.0.44.dev20260713+nightly
codegen_flags: <defaults>
</compile_context>

<pallas_src>
import functools

import jax
import jax.numpy as jnp
from jax import lax
from jax.experimental import pallas as pl
from jax.experimental.pallas import tpu as pltpu
from jax.experimental.pallas import tpu_sc as plsc

N = 10000
NP = 10112
E = 320000
NC, NS = 2, 16
NW = NC * NS
CH = 128
EPS = 10240
EPAD = NW * EPS
NCH = EPS // CH
RPS = NP // NS

f32 = jnp.float32


def _sc_mesh():
    return plsc.VectorSubcoreMesh(
        core_axis_name="c", subcore_axis_name="s", num_cores=NC, num_subcores=NS
    )



def _make_sc_scatter(F, tc_tiling=True):
    @functools.partial(
        pl.kernel,
        out_type=jax.ShapeDtypeStruct((NC, NP, F), f32),
        mesh=_sc_mesh(),
        compiler_params=pltpu.CompilerParams(use_tc_tiling_on_sc=tc_tiling),
        scratch_types=[
            pltpu.VMEM((CH,), jnp.int32),
            pltpu.VMEM((CH,), jnp.int32),
            pltpu.VMEM((CH, F), f32),
            pltpu.VMEM_SHARED((NP, F), f32),
            pltpu.SemaphoreType.DMA,
        ],
    )
    def scat(mh_hbm, src_hbm, dst_hbm, zeros_hbm, out_hbm,
             src_v, dst_v, rows_v, acc, sem):
        cid = lax.axis_index("c")
        sid = lax.axis_index("s")
        r0 = sid * RPS
        pltpu.sync_copy(zeros_hbm.at[pl.ds(r0, RPS)], acc.at[pl.ds(r0, RPS)])
        plsc.subcore_barrier()
        base = (cid * NS + sid) * EPS

        def body(c, carry):
            off = base + c * CH
            pltpu.sync_copy(src_hbm.at[pl.ds(off, CH)], src_v)
            pltpu.async_copy(mh_hbm.at[src_v], rows_v, sem).wait()
            pltpu.sync_copy(dst_hbm.at[pl.ds(off, CH)], dst_v)
            pltpu.sync_copy(rows_v, acc.at[dst_v], add=True)
            return carry

        lax.fori_loop(0, NCH, body, 0)
        plsc.subcore_barrier()
        pltpu.sync_copy(acc.at[pl.ds(r0, RPS)], out_hbm.at[cid].at[pl.ds(r0, RPS)])

    return scat


_sc_scatter128 = _make_sc_scatter(128)
_sc_scatter64 = _make_sc_scatter(64, tc_tiling=False)



RB = 1000
GRID = N // RB


def _tc_layer1(degpair, x, W1):
    def body(dp_ref, x_ref, w_ref, mh_ref, dinv_ref):
        deg = dp_ref[0, :, :1] + dp_ref[1, :, :1] + 1.0
        dinv = lax.rsqrt(deg)
        dinv_ref[...] = dinv
        m = jnp.dot(x_ref[...], w_ref[...], preferred_element_type=f32)
        mh_ref[...] = dinv * m

    return pl.pallas_call(
        body,
        grid=(GRID,),
        in_specs=[
            pl.BlockSpec((2, RB, 128), lambda i: (0, i, 0)),
            pl.BlockSpec((RB, 128), lambda i: (i, 0)),
            pl.BlockSpec((128, 128), lambda i: (0, 0)),
        ],
        out_specs=[
            pl.BlockSpec((RB, 128), lambda i: (i, 0)),
            pl.BlockSpec((RB, 1), lambda i: (i, 0)),
        ],
        out_shape=[
            jax.ShapeDtypeStruct((N, 128), f32),
            jax.ShapeDtypeStruct((N, 1), f32),
        ],
    )(degpair, x, W1)


def _tc_layer2(s1, mh1, dinv, b1, W2):
    def body(s_ref, mh_ref, dinv_ref, b_ref, w_ref, out_ref):
        s = s_ref[0] + s_ref[1] + mh_ref[...]
        h = jnp.maximum(dinv_ref[...] * s + b_ref[...], 0.0)
        out_ref[...] = dinv_ref[...] * jnp.dot(
            h, w_ref[...], preferred_element_type=f32)

    return pl.pallas_call(
        body,
        grid=(GRID,),
        in_specs=[
            pl.BlockSpec((2, RB, 128), lambda i: (0, i, 0)),
            pl.BlockSpec((RB, 128), lambda i: (i, 0)),
            pl.BlockSpec((RB, 1), lambda i: (i, 0)),
            pl.BlockSpec((1, 128), lambda i: (0, 0)),
            pl.BlockSpec((128, 64), lambda i: (0, 0)),
        ],
        out_specs=pl.BlockSpec((RB, 64), lambda i: (i, 0)),
        out_shape=jax.ShapeDtypeStruct((N, 64), f32),
    )(s1, mh1, dinv, b1, W2)


def _tc_final(s2, mh2, dinv, b2):
    def body(s_ref, mh_ref, dinv_ref, b_ref, out_ref):
        s = s_ref[0] + s_ref[1] + mh_ref[...]
        out_ref[...] = dinv_ref[...] * s + b_ref[...]

    return pl.pallas_call(
        body,
        grid=(GRID,),
        in_specs=[
            pl.BlockSpec((2, RB, 64), lambda i: (0, i, 0)),
            pl.BlockSpec((RB, 64), lambda i: (i, 0)),
            pl.BlockSpec((RB, 1), lambda i: (i, 0)),
            pl.BlockSpec((1, 64), lambda i: (0, 0)),
        ],
        out_specs=pl.BlockSpec((RB, 64), lambda i: (i, 0)),
        out_shape=jax.ShapeDtypeStruct((N, 64), f32),
    )(s2, mh2, dinv, b2)



def kernel(x, edge_index, W1, b1, W2, b2):
    src = edge_index[0].astype(jnp.int32)
    dst = edge_index[1].astype(jnp.int32)
    pad = EPAD - E
    src_p = jnp.concatenate([src, jnp.zeros((pad,), jnp.int32)])
    dst_p = jnp.concatenate([dst, jnp.full((pad,), N, jnp.int32)])
    ones_n = jnp.ones((N, 128), f32)
    zeros_f128 = jnp.zeros((NP, 128), f32)
    zeros_f64 = jnp.zeros((NP, 64), f32)

    degpair = _sc_scatter128(ones_n, src_p, dst_p, zeros_f128)
    mh1, dinv = _tc_layer1(degpair, x, W1)
    s1 = _sc_scatter128(mh1, src_p, dst_p, zeros_f128)
    mh2 = _tc_layer2(s1, mh1, dinv, b1.reshape(1, 128), W2)
    s2 = _sc_scatter64(mh2, src_p, dst_p, zeros_f64)
    z = _tc_final(s2, mh2, dinv, b2.reshape(1, 64))
    return z

# --- scband reference (transcript-rebuilt; emitter-appended) ---
"""Pipeline reference for scband-flashloan-gae-45938970198488 (READ-ONLY COPY).

The authoritative reference and input builder live on the scoring server;
editing this copy changes nothing except your own understanding.
"""

import jax, jax.numpy as jnp
import numpy as np

N_NODES = 10000
IN_CH = 128
HID = 64


def gcn_conv(x, edge_index, W, b, num_nodes):
    # PyG GCNConv: x' = D^{-1/2} (A + I) D^{-1/2} (x W) + b
    h = x @ W
    src = edge_index[0]
    dst = edge_index[1]
    loop = jnp.arange(num_nodes, dtype=edge_index.dtype)
    src = jnp.concatenate([src, loop])
    dst = jnp.concatenate([dst, loop])
    deg = jnp.zeros((num_nodes,), dtype=h.dtype).at[dst].add(1.0)
    dinv = jnp.where(deg > 0, deg ** -0.5, 0.0)
    norm = dinv[src] * dinv[dst]
    msg = h[src] * norm[:, None]
    out = jnp.zeros((num_nodes, h.shape[1]), dtype=h.dtype).at[dst].add(msg)
    return out + b


def setup_inputs(seed: int = 0) -> dict:
    key = jax.random.key(seed)
    ks = jax.random.split(key, 6)
    x = jax.random.normal(ks[0], (N_NODES, IN_CH), dtype=jnp.float32)
    edge_index = jax.random.randint(ks[1], (2, 320000), 0, N_NODES, dtype=jnp.int64)
    # Encoder params: conv1: in_channels -> 2*out_channels, conv2: 2*out_channels -> out_channels
    W1 = jax.random.normal(ks[2], (IN_CH, 2 * HID), dtype=jnp.float32) * (1.0 / np.sqrt(IN_CH))
    b1 = jnp.zeros((2 * HID,), dtype=jnp.float32)
    W2 = jax.random.normal(ks[3], (2 * HID, HID), dtype=jnp.float32) * (1.0 / np.sqrt(2 * HID))
    b2 = jnp.zeros((HID,), dtype=jnp.float32)
    return {"x": x, "edge_index": edge_index, "W1": W1, "b1": b1, "W2": W2, "b2": b2}


def reference(x, edge_index, W1, b1, W2, b2):
    num_nodes = x.shape[0]
    h = gcn_conv(x, edge_index, W1, b1, num_nodes)
    h = jax.nn.relu(h)
    z = gcn_conv(h, edge_index, W2, b2, num_nodes)
    return z

if __name__ == "__main__":
    import jax
    _d = setup_inputs()
    print(jax.jit(kernel)(*tuple(_d.values())))

</pallas_src>

<mosaic_0001>
#map = affine_map<(d0, d1) -> (0, 0)>
#map1 = affine_map<(d0, d1) -> (0)>
#map2 = affine_map<(d0, d1) -> (0, 0, 0)>
module attributes {stable_mosaic.version = 14 : i64} {
  func.func @scat(%arg0: i32, %arg1: i32, %arg2: memref<10000x128xf32, #tpu.memory_space<hbm>>, %arg3: memref<327680xi32, #tpu.memory_space<hbm>>, %arg4: memref<327680xi32, #tpu.memory_space<hbm>>, %arg5: memref<10112x128xf32, #tpu.memory_space<hbm>>, %arg6: memref<2x10112x128xf32, #tpu.memory_space<hbm>>, %arg7: memref<128xi32, #tpu.memory_space<vmem>>, %arg8: memref<128xi32, #tpu.memory_space<vmem>>, %arg9: memref<128x128xf32, #tpu.memory_space<vmem>>, %arg10: memref<10112x128xf32, #tpu.memory_space<vmem_shared>>, %arg11: memref<!tpu.dma_semaphore, #tpu.memory_space<semaphore_mem>>) attributes {dimension_semantics = [#tpu.dimension_semantics<core_parallel>, #tpu.dimension_semantics<subcore_parallel>], iteration_bounds = array<i64: 2, 16>, scalar_prefetch = 0 : i64, scratch_operands = 5 : i64, tpu.core_type = #tpu.core_type<sc_vector_subcore>, window_params = [{transform_indices = #map}, {transform_indices = #map1}, {transform_indices = #map1}, {transform_indices = #map}, {transform_indices = #map2}]} {
    %mul3A = arith.constant 632 : i32
    %mul3A_0 = arith.muli %arg1, %mul3A : i32
    "tpu.region"() ({
      %run_scoped3A = tpu.sem_alloc : memref<!tpu.dma_semaphore, #tpu.memory_space<semaphore_mem>>
      %dma_start3A = arith.constant 0 : i32
      %dma_start3A_11 = tpu.memref_slice %arg10[%mul3A_0, %dma_start3A] : memref<10112x128xf32, #tpu.memory_space<vmem_shared>> -> memref<632x128xf32, #tpu.memory_space<vmem_shared>>
      %dma_start3A_12 = arith.constant 0 : i32
      %dma_start3A_13 = tpu.memref_slice %arg5[%mul3A_0, %dma_start3A_12] : memref<10112x128xf32, #tpu.memory_space<hbm>> -> memref<632x128xf32, #tpu.memory_space<hbm>>
      tpu.enqueue_dma source(%dma_start3A_13 : memref<632x128xf32, #tpu.memory_space<hbm>>) target(%dma_start3A_11 : memref<632x128xf32, #tpu.memory_space<vmem_shared>>) target_semaphore(%run_scoped3A : memref<!tpu.dma_semaphore, #tpu.memory_space<semaphore_mem>>)
      %dma_wait3A = arith.constant 0 : i32
      %dma_wait3A_14 = tpu.memref_slice %arg10[%mul3A_0, %dma_wait3A] : memref<10112x128xf32, #tpu.memory_space<vmem_shared>> -> memref<632x128xf32, #tpu.memory_space<vmem_shared>>
      %dma_wait3A_15 = arith.constant 0 : i32
      %dma_wait3A_16 = tpu.memref_slice %arg5[%mul3A_0, %dma_wait3A_15] : memref<10112x128xf32, #tpu.memory_space<hbm>> -> memref<632x128xf32, #tpu.memory_space<hbm>>
      tpu.wait_dma2 semaphore(%run_scoped3A : memref<!tpu.dma_semaphore, #tpu.memory_space<semaphore_mem>>) src(%dma_wait3A_16 : memref<632x128xf32, #tpu.memory_space<hbm>>) dst(%dma_wait3A_14 : memref<632x128xf32, #tpu.memory_space<vmem_shared>>)
      tpu.yield
    }) : () -> ()
    %barrier3A = arith.constant 0 : index
    tpu.barrier barrier_id(%barrier3A)
    %mul3A_1 = arith.constant 16 : i32
    %mul3A_2 = arith.muli %arg0, %mul3A_1 : i32
    %add3A = arith.addi %mul3A_2, %arg1 : i32
    %mul3A_3 = arith.constant 10240 : i32
    %mul3A_4 = arith.muli %add3A, %mul3A_3 : i32
    %scan3A = arith.constant 0 : i32
    %scan3A_5 = arith.constant 0 : i32
    %scan3A_6 = arith.constant 80 : i32
    %scan3A_7 = arith.addi %scan3A_5, %scan3A_6 : i32
    %scan3A_8 = arith.constant 1 : i32
    scf.for %scan3A_11 = %scan3A_5 to %scan3A_7 step %scan3A_8  : i32 {
      %mul3A_12 = arith.constant 128 : i32
      %mul3A_13 = arith.muli %scan3A_11, %mul3A_12 : i32
      %add3A_14 = arith.addi %mul3A_4, %mul3A_13 : i32
      "tpu.region"() ({
        %run_scoped3A = tpu.sem_alloc : memref<!tpu.dma_semaphore, #tpu.memory_space<semaphore_mem>>
        %dma_start3A_19 = tpu.memref_slice %arg3[%add3A_14] : memref<327680xi32, #tpu.memory_space<hbm>> -> memref<128xi32, #tpu.memory_space<hbm>>
        %dma_start3A_20 = tpu.memref_slice %arg3[%add3A_14] : memref<327680xi32, #tpu.memory_space<hbm>> -> memref<128xi32, #tpu.memory_space<hbm>>
        tpu.enqueue_dma source(%dma_start3A_20 : memref<128xi32, #tpu.memory_space<hbm>>) target(%arg7 : memref<128xi32, #tpu.memory_space<vmem>>) target_semaphore(%run_scoped3A : memref<!tpu.dma_semaphore, #tpu.memory_space<semaphore_mem>>)
        %dma_wait3A_21 = tpu.memref_slice %arg3[%add3A_14] : memref<327680xi32, #tpu.memory_space<hbm>> -> memref<128xi32, #tpu.memory_space<hbm>>
        %dma_wait3A_22 = tpu.memref_slice %arg3[%add3A_14] : memref<327680xi32, #tpu.memory_space<hbm>> -> memref<128xi32, #tpu.memory_space<hbm>>
        tpu.wait_dma2 semaphore(%run_scoped3A : memref<!tpu.dma_semaphore, #tpu.memory_space<semaphore_mem>>) src(%dma_wait3A_22 : memref<128xi32, #tpu.memory_space<hbm>>) dst(%arg7 : memref<128xi32, #tpu.memory_space<vmem>>)
        tpu.yield
      }) : () -> ()
      %dma_start3A = arith.constant 0 : i32
      %dma_start3A_15 = arith.constant 0 : i32
      %dma_start3A_16 = tpu.memref_slice %arg2[%dma_start3A, %dma_start3A_15] : memref<10000x128xf32, #tpu.memory_space<hbm>> -> memref<10000x128xf32, #tpu.memory_space<hbm>>
      tpu.enqueue_indirect_dma source(%dma_start3A_16 : memref<10000x128xf32, #tpu.memory_space<hbm>>) target(%arg9 : memref<128x128xf32, #tpu.memory_space<vmem>>) offsets(%arg7 : memref<128xi32, #tpu.memory_space<vmem>>) semaphore(%arg11 : memref<!tpu.dma_semaphore, #tpu.memory_space<semaphore_mem>>)
      %dma_wait3A = arith.constant 0 : i32
      %dma_wait3A_17 = arith.constant 0 : i32
      %dma_wait3A_18 = tpu.memref_slice %arg2[%dma_wait3A, %dma_wait3A_17] : memref<10000x128xf32, #tpu.memory_space<hbm>> -> memref<10000x128xf32, #tpu.memory_space<hbm>>
      tpu.wait_indirect_dma semaphore(%arg11 : memref<!tpu.dma_semaphore, #tpu.memory_space<semaphore_mem>>) src(%dma_wait3A_18 : memref<10000x128xf32, #tpu.memory_space<hbm>>) dst(%arg9 : memref<128x128xf32, #tpu.memory_space<vmem>>)
      "tpu.region"() ({
        %run_scoped3A = tpu.sem_alloc : memref<!tpu.dma_semaphore, #tpu.memory_space<semaphore_mem>>
        %dma_start3A_19 = tpu.memref_slice %arg4[%add3A_14] : memref<327680xi32, #tpu.memory_space<hbm>> -> memref<128xi32, #tpu.memory_space<hbm>>
        %dma_start3A_20 = tpu.memref_slice %arg4[%add3A_14] : memref<327680xi32, #tpu.memory_space<hbm>> -> memref<128xi32, #tpu.memory_space<hbm>>
        tpu.enqueue_dma source(%dma_start3A_20 : memref<128xi32, #tpu.memory_space<hbm>>) target(%arg8 : memref<128xi32, #tpu.memory_space<vmem>>) target_semaphore(%run_scoped3A : memref<!tpu.dma_semaphore, #tpu.memory_space<semaphore_mem>>)
        %dma_wait3A_21 = tpu.memref_slice %arg4[%add3A_14] : memref<327680xi32, #tpu.memory_space<hbm>> -> memref<128xi32, #tpu.memory_space<hbm>>
        %dma_wait3A_22 = tpu.memref_slice %arg4[%add3A_14] : memref<327680xi32, #tpu.memory_space<hbm>> -> memref<128xi32, #tpu.memory_space<hbm>>
        tpu.wait_dma2 semaphore(%run_scoped3A : memref<!tpu.dma_semaphore, #tpu.memory_space<semaphore_mem>>) src(%dma_wait3A_22 : memref<128xi32, #tpu.memory_space<hbm>>) dst(%arg8 : memref<128xi32, #tpu.memory_space<vmem>>)
        tpu.yield
      }) : () -> ()
      "tpu.region"() ({
        %run_scoped3A = tpu.sem_alloc : memref<!tpu.dma_semaphore, #tpu.memory_space<semaphore_mem>>
        %dma_start3A_19 = arith.constant 0 : i32
        %dma_start3A_20 = arith.constant 0 : i32
        %dma_start3A_21 = tpu.memref_slice %arg10[%dma_start3A_19, %dma_start3A_20] : memref<10112x128xf32, #tpu.memory_space<vmem_shared>> -> memref<10112x128xf32, #tpu.memory_space<vmem_shared>>
        tpu.enqueue_indirect_dma source(%arg9 : memref<128x128xf32, #tpu.memory_space<vmem>>) target(%dma_start3A_21 : memref<10112x128xf32, #tpu.memory_space<vmem_shared>>) offsets(%arg8 : memref<128xi32, #tpu.memory_space<vmem>>) semaphore(%run_scoped3A : memref<!tpu.dma_semaphore, #tpu.memory_space<semaphore_mem>>) {add = true}
        %dma_wait3A_22 = arith.constant 0 : i32
        %dma_wait3A_23 = arith.constant 0 : i32
        %dma_wait3A_24 = tpu.memref_slice %arg10[%dma_wait3A_22, %dma_wait3A_23] : memref<10112x128xf32, #tpu.memory_space<vmem_shared>> -> memref<10112x128xf32, #tpu.memory_space<vmem_shared>>
        tpu.wait_indirect_dma semaphore(%run_scoped3A : memref<!tpu.dma_semaphore, #tpu.memory_space<semaphore_mem>>) src(%arg9 : memref<128x128xf32, #tpu.memory_space<vmem>>) dst(%dma_wait3A_24 : memref<10112x128xf32, #tpu.memory_space<vmem_shared>>)
        tpu.yield
      }) : () -> ()
    }
    %scan3A_9 = arith.constant 80 : i32
    %barrier3A_10 = arith.constant 0 : index
    tpu.barrier barrier_id(%barrier3A_10)
    "tpu.region"() ({
      %run_scoped3A = tpu.sem_alloc : memref<!tpu.dma_semaphore, #tpu.memory_space<semaphore_mem>>
      %dma_start3A = arith.constant 0 : i32
      %dma_start3A_11 = arith.constant 0 : i32
      %dma_start3A_12 = tpu.memref_slice %arg6[%arg0, %dma_start3A, %dma_start3A_11] : memref<2x10112x128xf32, #tpu.memory_space<hbm>> -> memref<1x10112x128xf32, #tpu.memory_space<hbm>>
      %dma_start3A_13 = tpu.memref_squeeze %dma_start3A_12 : memref<1x10112x128xf32, #tpu.memory_space<hbm>> -> memref<10112x128xf32, #tpu.memory_space<hbm>>
      %dma_start3A_14 = arith.constant 0 : i32
      %dma_start3A_15 = tpu.memref_slice %dma_start3A_13[%mul3A_0, %dma_start3A_14] : memref<10112x128xf32, #tpu.memory_space<hbm>> -> memref<632x128xf32, #tpu.memory_space<hbm>>
      %dma_start3A_16 = arith.constant 0 : i32
      %dma_start3A_17 = tpu.memref_slice %arg10[%mul3A_0, %dma_start3A_16] : memref<10112x128xf32, #tpu.memory_space<vmem_shared>> -> memref<632x128xf32, #tpu.memory_space<vmem_shared>>
      tpu.enqueue_dma source(%dma_start3A_17 : memref<632x128xf32, #tpu.memory_space<vmem_shared>>) target(%dma_start3A_15 : memref<632x128xf32, #tpu.memory_space<hbm>>) target_semaphore(%run_scoped3A : memref<!tpu.dma_semaphore, #tpu.memory_space<semaphore_mem>>)
      %dma_wait3A = arith.constant 0 : i32
      %dma_wait3A_18 = arith.constant 0 : i32
      %dma_wait3A_19 = tpu.memref_slice %arg6[%arg0, %dma_wait3A, %dma_wait3A_18] : memref<2x10112x128xf32, #tpu.memory_space<hbm>> -> memref<1x10112x128xf32, #tpu.memory_space<hbm>>
      %dma_wait3A_20 = tpu.memref_squeeze %dma_wait3A_19 : memref<1x10112x128xf32, #tpu.memory_space<hbm>> -> memref<10112x128xf32, #tpu.memory_space<hbm>>
      %dma_wait3A_21 = arith.constant 0 : i32
      %dma_wait3A_22 = tpu.memref_slice %dma_wait3A_20[%mul3A_0, %dma_wait3A_21] : memref<10112x128xf32, #tpu.memory_space<hbm>> -> memref<632x128xf32, #tpu.memory_space<hbm>>
      %dma_wait3A_23 = arith.constant 0 : i32
      %dma_wait3A_24 = tpu.memref_slice %arg10[%mul3A_0, %dma_wait3A_23] : memref<10112x128xf32, #tpu.memory_space<vmem_shared>> -> memref<632x128xf32, #tpu.memory_space<vmem_shared>>
      tpu.wait_dma2 semaphore(%run_scoped3A : memref<!tpu.dma_semaphore, #tpu.memory_space<semaphore_mem>>) src(%dma_wait3A_24 : memref<632x128xf32, #tpu.memory_space<vmem_shared>>) dst(%dma_wait3A_22 : memref<632x128xf32, #tpu.memory_space<hbm>>)
      tpu.yield
    }) : () -> ()
    return
  }
}

#map = affine_map<(d0, d1) -> (0, 0)>
#map1 = affine_map<(d0, d1) -> (0)>
#map2 = affine_map<(d0, d1) -> (0, 0, 0)>
module attributes {stable_mosaic.version = 14 : i64} {
  func.func @scat(%arg0: i32, %arg1: i32, %arg2: memref<10000x64xf32, #tpu.memory_space<hbm>>, %arg3: memref<327680xi32, #tpu.memory_space<hbm>>, %arg4: memref<327680xi32, #tpu.memory_space<hbm>>, %arg5: memref<10112x64xf32, #tpu.memory_space<hbm>>, %arg6: memref<2x10112x64xf32, #tpu.memory_space<hbm>>, %arg7: memref<128xi32, #tpu.memory_space<vmem>>, %arg8: memref<128xi32, #tpu.memory_space<vmem>>, %arg9: memref<128x64xf32, #tpu.memory_space<vmem>>, %arg10: memref<10112x64xf32, #tpu.memory_space<vmem_shared>>, %arg11: memref<!tpu.dma_semaphore, #tpu.memory_space<semaphore_mem>>) attributes {dimension_semantics = [#tpu.dimension_semantics<core_parallel>, #tpu.dimension_semantics<subcore_parallel>], iteration_bounds = array<i64: 2, 16>, scalar_prefetch = 0 : i64, scratch_operands = 5 : i64, tpu.core_type = #tpu.core_type<sc_vector_subcore>, window_params = [{transform_indices = #map}, {transform_indices = #map1}, {transform_indices = #map1}, {transform_indices = #map}, {transform_indices = #map2}]} {
    %mul3A = arith.constant 632 : i32
    %mul3A_0 = arith.muli %arg1, %mul3A : i32
    "tpu.region"() ({
      %run_scoped3A = tpu.sem_alloc : memref<!tpu.dma_semaphore, #tpu.memory_space<semaphore_mem>>
      %dma_start3A = arith.constant 0 : i32
      %dma_start3A_11 = tpu.memref_slice %arg10[%mul3A_0, %dma_start3A] : memref<10112x64xf32, #tpu.memory_space<vmem_shared>> -> memref<632x64xf32, #tpu.memory_space<vmem_shared>>
      %dma_start3A_12 = arith.constant 0 : i32
      %dma_start3A_13 = tpu.memref_slice %arg5[%mul3A_0, %dma_start3A_12] : memref<10112x64xf32, #tpu.memory_space<hbm>> -> memref<632x64xf32, #tpu.memory_space<hbm>>
      tpu.enqueue_dma source(%dma_start3A_13 : memref<632x64xf32, #tpu.memory_space<hbm>>) target(%dma_start3A_11 : memref<632x64xf32, #tpu.memory_space<vmem_shared>>) target_semaphore(%run_scoped3A : memref<!tpu.dma_semaphore, #tpu.memory_space<semaphore_mem>>)
      %dma_wait3A = arith.constant 0 : i32
      %dma_wait3A_14 = tpu.memref_slice %arg10[%mul3A_0, %dma_wait3A] : memref<10112x64xf32, #tpu.memory_space<vmem_shared>> -> memref<632x64xf32, #tpu.memory_space<vmem_shared>>
      %dma_wait3A_15 = arith.constant 0 : i32
      %dma_wait3A_16 = tpu.memref_slice %arg5[%mul3A_0, %dma_wait3A_15] : memref<10112x64xf32, #tpu.memory_space<hbm>> -> memref<632x64xf32, #tpu.memory_space<hbm>>
      tpu.wait_dma2 semaphore(%run_scoped3A : memref<!tpu.dma_semaphore, #tpu.memory_space<semaphore_mem>>) src(%dma_wait3A_16 : memref<632x64xf32, #tpu.memory_space<hbm>>) dst(%dma_wait3A_14 : memref<632x64xf32, #tpu.memory_space<vmem_shared>>)
      tpu.yield
    }) : () -> ()
    %barrier3A = arith.constant 0 : index
    tpu.barrier barrier_id(%barrier3A)
    %mul3A_1 = arith.constant 16 : i32
    %mul3A_2 = arith.muli %arg0, %mul3A_1 : i32
    %add3A = arith.addi %mul3A_2, %arg1 : i32
    %mul3A_3 = arith.constant 10240 : i32
    %mul3A_4 = arith.muli %add3A, %mul3A_3 : i32
    %scan3A = arith.constant 0 : i32
    %scan3A_5 = arith.constant 0 : i32
    %scan3A_6 = arith.constant 80 : i32
    %scan3A_7 = arith.addi %scan3A_5, %scan3A_6 : i32
    %scan3A_8 = arith.constant 1 : i32
    scf.for %scan3A_11 = %scan3A_5 to %scan3A_7 step %scan3A_8  : i32 {
      %mul3A_12 = arith.constant 128 : i32
      %mul3A_13 = arith.muli %scan3A_11, %mul3A_12 : i32
      %add3A_14 = arith.addi %mul3A_4, %mul3A_13 : i32
      "tpu.region"() ({
        %run_scoped3A = tpu.sem_alloc : memref<!tpu.dma_semaphore, #tpu.memory_space<semaphore_mem>>
        %dma_start3A_19 = tpu.memref_slice %arg3[%add3A_14] : memref<327680xi32, #tpu.memory_space<hbm>> -> memref<128xi32, #tpu.memory_space<hbm>>
        %dma_start3A_20 = tpu.memref_slice %arg3[%add3A_14] : memref<327680xi32, #tpu.memory_space<hbm>> -> memref<128xi32, #tpu.memory_space<hbm>>
        tpu.enqueue_dma source(%dma_start3A_20 : memref<128xi32, #tpu.memory_space<hbm>>) target(%arg7 : memref<128xi32, #tpu.memory_space<vmem>>) target_semaphore(%run_scoped3A : memref<!tpu.dma_semaphore, #tpu.memory_space<semaphore_mem>>)
        %dma_wait3A_21 = tpu.memref_slice %arg3[%add3A_14] : memref<327680xi32, #tpu.memory_space<hbm>> -> memref<128xi32, #tpu.memory_space<hbm>>
        %dma_wait3A_22 = tpu.memref_slice %arg3[%add3A_14] : memref<327680xi32, #tpu.memory_space<hbm>> -> memref<128xi32, #tpu.memory_space<hbm>>
        tpu.wait_dma2 semaphore(%run_scoped3A : memref<!tpu.dma_semaphore, #tpu.memory_space<semaphore_mem>>) src(%dma_wait3A_22 : memref<128xi32, #tpu.memory_space<hbm>>) dst(%arg7 : memref<128xi32, #tpu.memory_space<vmem>>)
        tpu.yield
      }) : () -> ()
      %dma_start3A = arith.constant 0 : i32
      %dma_start3A_15 = arith.constant 0 : i32
      %dma_start3A_16 = tpu.memref_slice %arg2[%dma_start3A, %dma_start3A_15] : memref<10000x64xf32, #tpu.memory_space<hbm>> -> memref<10000x64xf32, #tpu.memory_space<hbm>>
      tpu.enqueue_indirect_dma source(%dma_start3A_16 : memref<10000x64xf32, #tpu.memory_space<hbm>>) target(%arg9 : memref<128x64xf32, #tpu.memory_space<vmem>>) offsets(%arg7 : memref<128xi32, #tpu.memory_space<vmem>>) semaphore(%arg11 : memref<!tpu.dma_semaphore, #tpu.memory_space<semaphore_mem>>)
      %dma_wait3A = arith.constant 0 : i32
      %dma_wait3A_17 = arith.constant 0 : i32
      %dma_wait3A_18 = tpu.memref_slice %arg2[%dma_wait3A, %dma_wait3A_17] : memref<10000x64xf32, #tpu.memory_space<hbm>> -> memref<10000x64xf32, #tpu.memory_space<hbm>>
      tpu.wait_indirect_dma semaphore(%arg11 : memref<!tpu.dma_semaphore, #tpu.memory_space<semaphore_mem>>) src(%dma_wait3A_18 : memref<10000x64xf32, #tpu.memory_space<hbm>>) dst(%arg9 : memref<128x64xf32, #tpu.memory_space<vmem>>)
      "tpu.region"() ({
        %run_scoped3A = tpu.sem_alloc : memref<!tpu.dma_semaphore, #tpu.memory_space<semaphore_mem>>
        %dma_start3A_19 = tpu.memref_slice %arg4[%add3A_14] : memref<327680xi32, #tpu.memory_space<hbm>> -> memref<128xi32, #tpu.memory_space<hbm>>
        %dma_start3A_20 = tpu.memref_slice %arg4[%add3A_14] : memref<327680xi32, #tpu.memory_space<hbm>> -> memref<128xi32, #tpu.memory_space<hbm>>
        tpu.enqueue_dma source(%dma_start3A_20 : memref<128xi32, #tpu.memory_space<hbm>>) target(%arg8 : memref<128xi32, #tpu.memory_space<vmem>>) target_semaphore(%run_scoped3A : memref<!tpu.dma_semaphore, #tpu.memory_space<semaphore_mem>>)
        %dma_wait3A_21 = tpu.memref_slice %arg4[%add3A_14] : memref<327680xi32, #tpu.memory_space<hbm>> -> memref<128xi32, #tpu.memory_space<hbm>>
        %dma_wait3A_22 = tpu.memref_slice %arg4[%add3A_14] : memref<327680xi32, #tpu.memory_space<hbm>> -> memref<128xi32, #tpu.memory_space<hbm>>
        tpu.wait_dma2 semaphore(%run_scoped3A : memref<!tpu.dma_semaphore, #tpu.memory_space<semaphore_mem>>) src(%dma_wait3A_22 : memref<128xi32, #tpu.memory_space<hbm>>) dst(%arg8 : memref<128xi32, #tpu.memory_space<vmem>>)
        tpu.yield
      }) : () -> ()
      "tpu.region"() ({
        %run_scoped3A = tpu.sem_alloc : memref<!tpu.dma_semaphore, #tpu.memory_space<semaphore_mem>>
        %dma_start3A_19 = arith.constant 0 : i32
        %dma_start3A_20 = arith.constant 0 : i32
        %dma_start3A_21 = tpu.memref_slice %arg10[%dma_start3A_19, %dma_start3A_20] : memref<10112x64xf32, #tpu.memory_space<vmem_shared>> -> memref<10112x64xf32, #tpu.memory_space<vmem_shared>>
        tpu.enqueue_indirect_dma source(%arg9 : memref<128x64xf32, #tpu.memory_space<vmem>>) target(%dma_start3A_21 : memref<10112x64xf32, #tpu.memory_space<vmem_shared>>) offsets(%arg8 : memref<128xi32, #tpu.memory_space<vmem>>) semaphore(%run_scoped3A : memref<!tpu.dma_semaphore, #tpu.memory_space<semaphore_mem>>) {add = true}
        %dma_wait3A_22 = arith.constant 0 : i32
        %dma_wait3A_23 = arith.constant 0 : i32
        %dma_wait3A_24 = tpu.memref_slice %arg10[%dma_wait3A_22, %dma_wait3A_23] : memref<10112x64xf32, #tpu.memory_space<vmem_shared>> -> memref<10112x64xf32, #tpu.memory_space<vmem_shared>>
        tpu.wait_indirect_dma semaphore(%run_scoped3A : memref<!tpu.dma_semaphore, #tpu.memory_space<semaphore_mem>>) src(%arg9 : memref<128x64xf32, #tpu.memory_space<vmem>>) dst(%dma_wait3A_24 : memref<10112x64xf32, #tpu.memory_space<vmem_shared>>)
        tpu.yield
      }) : () -> ()
    }
    %scan3A_9 = arith.constant 80 : i32
    %barrier3A_10 = arith.constant 0 : index
    tpu.barrier barrier_id(%barrier3A_10)
    "tpu.region"() ({
      %run_scoped3A = tpu.sem_alloc : memref<!tpu.dma_semaphore, #tpu.memory_space<semaphore_mem>>
      %dma_start3A = arith.constant 0 : i32
      %dma_start3A_11 = arith.constant 0 : i32
      %dma_start3A_12 = tpu.memref_slice %arg6[%arg0, %dma_start3A, %dma_start3A_11] : memref<2x10112x64xf32, #tpu.memory_space<hbm>> -> memref<1x10112x64xf32, #tpu.memory_space<hbm>>
      %dma_start3A_13 = tpu.memref_squeeze %dma_start3A_12 : memref<1x10112x64xf32, #tpu.memory_space<hbm>> -> memref<10112x64xf32, #tpu.memory_space<hbm>>
      %dma_start3A_14 = arith.constant 0 : i32
      %dma_start3A_15 = tpu.memref_slice %dma_start3A_13[%mul3A_0, %dma_start3A_14] : memref<10112x64xf32, #tpu.memory_space<hbm>> -> memref<632x64xf32, #tpu.memory_space<hbm>>
      %dma_start3A_16 = arith.constant 0 : i32
      %dma_start3A_17 = tpu.memref_slice %arg10[%mul3A_0, %dma_start3A_16] : memref<10112x64xf32, #tpu.memory_space<vmem_shared>> -> memref<632x64xf32, #tpu.memory_space<vmem_shared>>
      tpu.enqueue_dma source(%dma_start3A_17 : memref<632x64xf32, #tpu.memory_space<vmem_shared>>) target(%dma_start3A_15 : memref<632x64xf32, #tpu.memory_space<hbm>>) target_semaphore(%run_scoped3A : memref<!tpu.dma_semaphore, #tpu.memory_space<semaphore_mem>>)
      %dma_wait3A = arith.constant 0 : i32
      %dma_wait3A_18 = arith.constant 0 : i32
      %dma_wait3A_19 = tpu.memref_slice %arg6[%arg0, %dma_wait3A, %dma_wait3A_18] : memref<2x10112x64xf32, #tpu.memory_space<hbm>> -> memref<1x10112x64xf32, #tpu.memory_space<hbm>>
      %dma_wait3A_20 = tpu.memref_squeeze %dma_wait3A_19 : memref<1x10112x64xf32, #tpu.memory_space<hbm>> -> memref<10112x64xf32, #tpu.memory_space<hbm>>
      %dma_wait3A_21 = arith.constant 0 : i32
      %dma_wait3A_22 = tpu.memref_slice %dma_wait3A_20[%mul3A_0, %dma_wait3A_21] : memref<10112x64xf32, #tpu.memory_space<hbm>> -> memref<632x64xf32, #tpu.memory_space<hbm>>
      %dma_wait3A_23 = arith.constant 0 : i32
      %dma_wait3A_24 = tpu.memref_slice %arg10[%mul3A_0, %dma_wait3A_23] : memref<10112x64xf32, #tpu.memory_space<vmem_shared>> -> memref<632x64xf32, #tpu.memory_space<vmem_shared>>
      tpu.wait_dma2 semaphore(%run_scoped3A : memref<!tpu.dma_semaphore, #tpu.memory_space<semaphore_mem>>) src(%dma_wait3A_24 : memref<632x64xf32, #tpu.memory_space<vmem_shared>>) dst(%dma_wait3A_22 : memref<632x64xf32, #tpu.memory_space<hbm>>)
      tpu.yield
    }) : () -> ()
    return
  }
}

#map = affine_map<(d0, d1) -> (0, 0)>
#map1 = affine_map<(d0, d1) -> (0)>
#map2 = affine_map<(d0, d1) -> (0, 0, 0)>
module attributes {stable_mosaic.version = 14 : i64} {
  func.func @scat(%arg0: i32, %arg1: i32, %arg2: memref<10000x128xf32, #tpu.memory_space<hbm>>, %arg3: memref<327680xi32, #tpu.memory_space<hbm>>, %arg4: memref<327680xi32, #tpu.memory_space<hbm>>, %arg5: memref<10112x128xf32, #tpu.memory_space<hbm>>, %arg6: memref<2x10112x128xf32, #tpu.memory_space<hbm>>, %arg7: memref<128xi32, #tpu.memory_space<vmem>>, %arg8: memref<128xi32, #tpu.memory_space<vmem>>, %arg9: memref<128x128xf32, #tpu.memory_space<vmem>>, %arg10: memref<10112x128xf32, #tpu.memory_space<vmem_shared>>, %arg11: memref<!tpu.dma_semaphore, #tpu.memory_space<semaphore_mem>>) attributes {dimension_semantics = [#tpu.dimension_semantics<core_parallel>, #tpu.dimension_semantics<subcore_parallel>], iteration_bounds = array<i64: 2, 16>, scalar_prefetch = 0 : i64, scratch_operands = 5 : i64, tpu.core_type = #tpu.core_type<sc_vector_subcore>, window_params = [{transform_indices = #map}, {transform_indices = #map1}, {transform_indices = #map1}, {transform_indices = #map}, {transform_indices = #map2}]} {
    %mul3A = arith.constant 632 : i32
    %mul3A_0 = arith.muli %arg1, %mul3A : i32
    "tpu.region"() ({
      %run_scoped3A = tpu.sem_alloc : memref<!tpu.dma_semaphore, #tpu.memory_space<semaphore_mem>>
      %dma_start3A = arith.constant 0 : i32
      %dma_start3A_11 = tpu.memref_slice %arg10[%mul3A_0, %dma_start3A] : memref<10112x128xf32, #tpu.memory_space<vmem_shared>> -> memref<632x128xf32, #tpu.memory_space<vmem_shared>>
      %dma_start3A_12 = arith.constant 0 : i32
      %dma_start3A_13 = tpu.memref_slice %arg5[%mul3A_0, %dma_start3A_12] : memref<10112x128xf32, #tpu.memory_space<hbm>> -> memref<632x128xf32, #tpu.memory_space<hbm>>
      tpu.enqueue_dma source(%dma_start3A_13 : memref<632x128xf32, #tpu.memory_space<hbm>>) target(%dma_start3A_11 : memref<632x128xf32, #tpu.memory_space<vmem_shared>>) target_semaphore(%run_scoped3A : memref<!tpu.dma_semaphore, #tpu.memory_space<semaphore_mem>>)
      %dma_wait3A = arith.constant 0 : i32
      %dma_wait3A_14 = tpu.memref_slice %arg10[%mul3A_0, %dma_wait3A] : memref<10112x128xf32, #tpu.memory_space<vmem_shared>> -> memref<632x128xf32, #tpu.memory_space<vmem_shared>>
      %dma_wait3A_15 = arith.constant 0 : i32
      %dma_wait3A_16 = tpu.memref_slice %arg5[%mul3A_0, %dma_wait3A_15] : memref<10112x128xf32, #tpu.memory_space<hbm>> -> memref<632x128xf32, #tpu.memory_space<hbm>>
      tpu.wait_dma2 semaphore(%run_scoped3A : memref<!tpu.dma_semaphore, #tpu.memory_space<semaphore_mem>>) src(%dma_wait3A_16 : memref<632x128xf32, #tpu.memory_space<hbm>>) dst(%dma_wait3A_14 : memref<632x128xf32, #tpu.memory_space<vmem_shared>>)
      tpu.yield
    }) : () -> ()
    %barrier3A = arith.constant 0 : index
    tpu.barrier barrier_id(%barrier3A)
    %mul3A_1 = arith.constant 16 : i32
    %mul3A_2 = arith.muli %arg0, %mul3A_1 : i32
    %add3A = arith.addi %mul3A_2, %arg1 : i32
    %mul3A_3 = arith.constant 10240 : i32
    %mul3A_4 = arith.muli %add3A, %mul3A_3 : i32
    %scan3A = arith.constant 0 : i32
    %scan3A_5 = arith.constant 0 : i32
    %scan3A_6 = arith.constant 80 : i32
    %scan3A_7 = arith.addi %scan3A_5, %scan3A_6 : i32
    %scan3A_8 = arith.constant 1 : i32
    scf.for %scan3A_11 = %scan3A_5 to %scan3A_7 step %scan3A_8  : i32 {
      %mul3A_12 = arith.constant 128 : i32
      %mul3A_13 = arith.muli %scan3A_11, %mul3A_12 : i32
      %add3A_14 = arith.addi %mul3A_4, %mul3A_13 : i32
      "tpu.region"() ({
        %run_scoped3A = tpu.sem_alloc : memref<!tpu.dma_semaphore, #tpu.memory_space<semaphore_mem>>
        %dma_start3A_19 = tpu.memref_slice %arg3[%add3A_14] : memref<327680xi32, #tpu.memory_space<hbm>> -> memref<128xi32, #tpu.memory_space<hbm>>
        %dma_start3A_20 = tpu.memref_slice %arg3[%add3A_14] : memref<327680xi32, #tpu.memory_space<hbm>> -> memref<128xi32, #tpu.memory_space<hbm>>
        tpu.enqueue_dma source(%dma_start3A_20 : memref<128xi32, #tpu.memory_space<hbm>>) target(%arg7 : memref<128xi32, #tpu.memory_space<vmem>>) target_semaphore(%run_scoped3A : memref<!tpu.dma_semaphore, #tpu.memory_space<semaphore_mem>>)
        %dma_wait3A_21 = tpu.memref_slice %arg3[%add3A_14] : memref<327680xi32, #tpu.memory_space<hbm>> -> memref<128xi32, #tpu.memory_space<hbm>>
        %dma_wait3A_22 = tpu.memref_slice %arg3[%add3A_14] : memref<327680xi32, #tpu.memory_space<hbm>> -> memref<128xi32, #tpu.memory_space<hbm>>
        tpu.wait_dma2 semaphore(%run_scoped3A : memref<!tpu.dma_semaphore, #tpu.memory_space<semaphore_mem>>) src(%dma_wait3A_22 : memref<128xi32, #tpu.memory_space<hbm>>) dst(%arg7 : memref<128xi32, #tpu.memory_space<vmem>>)
        tpu.yield
      }) : () -> ()
      %dma_start3A = arith.constant 0 : i32
      %dma_start3A_15 = arith.constant 0 : i32
      %dma_start3A_16 = tpu.memref_slice %arg2[%dma_start3A, %dma_start3A_15] : memref<10000x128xf32, #tpu.memory_space<hbm>> -> memref<10000x128xf32, #tpu.memory_space<hbm>>
      tpu.enqueue_indirect_dma source(%dma_start3A_16 : memref<10000x128xf32, #tpu.memory_space<hbm>>) target(%arg9 : memref<128x128xf32, #tpu.memory_space<vmem>>) offsets(%arg7 : memref<128xi32, #tpu.memory_space<vmem>>) semaphore(%arg11 : memref<!tpu.dma_semaphore, #tpu.memory_space<semaphore_mem>>)
      %dma_wait3A = arith.constant 0 : i32
      %dma_wait3A_17 = arith.constant 0 : i32
      %dma_wait3A_18 = tpu.memref_slice %arg2[%dma_wait3A, %dma_wait3A_17] : memref<10000x128xf32, #tpu.memory_space<hbm>> -> memref<10000x128xf32, #tpu.memory_space<hbm>>
      tpu.wait_indirect_dma semaphore(%arg11 : memref<!tpu.dma_semaphore, #tpu.memory_space<semaphore_mem>>) src(%dma_wait3A_18 : memref<10000x128xf32, #tpu.memory_space<hbm>>) dst(%arg9 : memref<128x128xf32, #tpu.memory_space<vmem>>)
      "tpu.region"() ({
        %run_scoped3A = tpu.sem_alloc : memref<!tpu.dma_semaphore, #tpu.memory_space<semaphore_mem>>
        %dma_start3A_19 = tpu.memref_slice %arg4[%add3A_14] : memref<327680xi32, #tpu.memory_space<hbm>> -> memref<128xi32, #tpu.memory_space<hbm>>
        %dma_start3A_20 = tpu.memref_slice %arg4[%add3A_14] : memref<327680xi32, #tpu.memory_space<hbm>> -> memref<128xi32, #tpu.memory_space<hbm>>
        tpu.enqueue_dma source(%dma_start3A_20 : memref<128xi32, #tpu.memory_space<hbm>>) target(%arg8 : memref<128xi32, #tpu.memory_space<vmem>>) target_semaphore(%run_scoped3A : memref<!tpu.dma_semaphore, #tpu.memory_space<semaphore_mem>>)
        %dma_wait3A_21 = tpu.memref_slice %arg4[%add3A_14] : memref<327680xi32, #tpu.memory_space<hbm>> -> memref<128xi32, #tpu.memory_space<hbm>>
        %dma_wait3A_22 = tpu.memref_slice %arg4[%add3A_14] : memref<327680xi32, #tpu.memory_space<hbm>> -> memref<128xi32, #tpu.memory_space<hbm>>
        tpu.wait_dma2 semaphore(%run_scoped3A : memref<!tpu.dma_semaphore, #tpu.memory_space<semaphore_mem>>) src(%dma_wait3A_22 : memref<128xi32, #tpu.memory_space<hbm>>) dst(%arg8 : memref<128xi32, #tpu.memory_space<vmem>>)
        tpu.yield
      }) : () -> ()
      "tpu.region"() ({
        %run_scoped3A = tpu.sem_alloc : memref<!tpu.dma_semaphore, #tpu.memory_space<semaphore_mem>>
        %dma_start3A_19 = arith.constant 0 : i32
        %dma_start3A_20 = arith.constant 0 : i32
        %dma_start3A_21 = tpu.memref_slice %arg10[%dma_start3A_19, %dma_start3A_20] : memref<10112x128xf32, #tpu.memory_space<vmem_shared>> -> memref<10112x128xf32, #tpu.memory_space<vmem_shared>>
        tpu.enqueue_indirect_dma source(%arg9 : memref<128x128xf32, #tpu.memory_space<vmem>>) target(%dma_start3A_21 : memref<10112x128xf32, #tpu.memory_space<vmem_shared>>) offsets(%arg8 : memref<128xi32, #tpu.memory_space<vmem>>) semaphore(%run_scoped3A : memref<!tpu.dma_semaphore, #tpu.memory_space<semaphore_mem>>) {add = true}
        %dma_wait3A_22 = arith.constant 0 : i32
        %dma_wait3A_23 = arith.constant 0 : i32
        %dma_wait3A_24 = tpu.memref_slice %arg10[%dma_wait3A_22, %dma_wait3A_23] : memref<10112x128xf32, #tpu.memory_space<vmem_shared>> -> memref<10112x128xf32, #tpu.memory_space<vmem_shared>>
        tpu.wait_indirect_dma semaphore(%run_scoped3A : memref<!tpu.dma_semaphore, #tpu.memory_space<semaphore_mem>>) src(%arg9 : memref<128x128xf32, #tpu.memory_space<vmem>>) dst(%dma_wait3A_24 : memref<10112x128xf32, #tpu.memory_space<vmem_shared>>)
        tpu.yield
      }) : () -> ()
    }
    %scan3A_9 = arith.constant 80 : i32
    %barrier3A_10 = arith.constant 0 : index
    tpu.barrier barrier_id(%barrier3A_10)
    "tpu.region"() ({
      %run_scoped3A = tpu.sem_alloc : memref<!tpu.dma_semaphore, #tpu.memory_space<semaphore_mem>>
      %dma_start3A = arith.constant 0 : i32
      %dma_start3A_11 = arith.constant 0 : i32
      %dma_start3A_12 = tpu.memref_slice %arg6[%arg0, %dma_start3A, %dma_start3A_11] : memref<2x10112x128xf32, #tpu.memory_space<hbm>> -> memref<1x10112x128xf32, #tpu.memory_space<hbm>>
      %dma_start3A_13 = tpu.memref_squeeze %dma_start3A_12 : memref<1x10112x128xf32, #tpu.memory_space<hbm>> -> memref<10112x128xf32, #tpu.memory_space<hbm>>
      %dma_start3A_14 = arith.constant 0 : i32
      %dma_start3A_15 = tpu.memref_slice %dma_start3A_13[%mul3A_0, %dma_start3A_14] : memref<10112x128xf32, #tpu.memory_space<hbm>> -> memref<632x128xf32, #tpu.memory_space<hbm>>
      %dma_start3A_16 = arith.constant 0 : i32
      %dma_start3A_17 = tpu.memref_slice %arg10[%mul3A_0, %dma_start3A_16] : memref<10112x128xf32, #tpu.memory_space<vmem_shared>> -> memref<632x128xf32, #tpu.memory_space<vmem_shared>>
      tpu.enqueue_dma source(%dma_start3A_17 : memref<632x128xf32, #tpu.memory_space<vmem_shared>>) target(%dma_start3A_15 : memref<632x128xf32, #tpu.memory_space<hbm>>) target_semaphore(%run_scoped3A : memref<!tpu.dma_semaphore, #tpu.memory_space<semaphore_mem>>)
      %dma_wait3A = arith.constant 0 : i32
      %dma_wait3A_18 = arith.constant 0 : i32
      %dma_wait3A_19 = tpu.memref_slice %arg6[%arg0, %dma_wait3A, %dma_wait3A_18] : memref<2x10112x128xf32, #tpu.memory_space<hbm>> -> memref<1x10112x128xf32, #tpu.memory_space<hbm>>
      %dma_wait3A_20 = tpu.memref_squeeze %dma_wait3A_19 : memref<1x10112x128xf32, #tpu.memory_space<hbm>> -> memref<10112x128xf32, #tpu.memory_space<hbm>>
      %dma_wait3A_21 = arith.constant 0 : i32
      %dma_wait3A_22 = tpu.memref_slice %dma_wait3A_20[%mul3A_0, %dma_wait3A_21] : memref<10112x128xf32, #tpu.memory_space<hbm>> -> memref<632x128xf32, #tpu.memory_space<hbm>>
      %dma_wait3A_23 = arith.constant 0 : i32
      %dma_wait3A_24 = tpu.memref_slice %arg10[%mul3A_0, %dma_wait3A_23] : memref<10112x128xf32, #tpu.memory_space<vmem_shared>> -> memref<632x128xf32, #tpu.memory_space<vmem_shared>>
      tpu.wait_dma2 semaphore(%run_scoped3A : memref<!tpu.dma_semaphore, #tpu.memory_space<semaphore_mem>>) src(%dma_wait3A_24 : memref<632x128xf32, #tpu.memory_space<vmem_shared>>) dst(%dma_wait3A_22 : memref<632x128xf32, #tpu.memory_space<hbm>>)
      tpu.yield
    }) : () -> ()
    return
  }
}

module attributes {stable_mosaic.version = 14 : i64} {
  func.func @body(%arg0: i32, %arg1: memref<2x1000x128xf32, #tpu.memory_space<vmem>>, %arg2: memref<1000x128xf32, #tpu.memory_space<vmem>>, %arg3: memref<1000x1xf32, #tpu.memory_space<vmem>>, %arg4: memref<1x128xf32, #tpu.memory_space<vmem>>, %arg5: memref<128x64xf32, #tpu.memory_space<vmem>>, %arg6: memref<1000x64xf32, #tpu.memory_space<vmem>>) attributes {dimension_semantics = [#tpu.dimension_semantics<arbitrary>], iteration_bounds = array<i64: 10>, scalar_prefetch = 0 : i64, scratch_operands = 0 : i64, tpu.core_type = #tpu.core_type<tc>, window_params = [{transform_indices = @transform_0, window_bounds = array<i64: 2, 1000, 128>}, {transform_indices = @transform_1, window_bounds = array<i64: 1000, 128>}, {transform_indices = @transform_2, window_bounds = array<i64: 1000, 1>}, {pipeline_mode = #tpu.pipeline_mode<synchronous>, transform_indices = @transform_3, window_bounds = array<i64: 1, 128>}, {pipeline_mode = #tpu.pipeline_mode<synchronous>, transform_indices = @transform_4, window_bounds = array<i64: 128, 64>}, {transform_indices = @transform_5, window_bounds = array<i64: 1000, 64>}]} {
    %get3A = arith.constant 0 : index
    %get3A_0 = arith.constant 0 : index
    %get3A_1 = arith.constant 0 : index
    %get3A_2 = vector.load %arg1[%get3A, %get3A_0, %get3A_1] : memref<2x1000x128xf32, #tpu.memory_space<vmem>>, vector<1x1000x128xf32>
    %get3A_3 = vector.shape_cast %get3A_2 : vector<1x1000x128xf32> to vector<1000x128xf32>
    %get3A_4 = arith.constant 1 : index
    %get3A_5 = arith.constant 0 : index
    %get3A_6 = arith.constant 0 : index
    %get3A_7 = vector.load %arg1[%get3A_4, %get3A_5, %get3A_6] : memref<2x1000x128xf32, #tpu.memory_space<vmem>>, vector<1x1000x128xf32>
    %get3A_8 = vector.shape_cast %get3A_7 : vector<1x1000x128xf32> to vector<1000x128xf32>
    %add3A = arith.addf %get3A_3, %get3A_8 : vector<1000x128xf32>
    %get3A_9 = arith.constant 0 : index
    %get3A_10 = arith.constant 0 : index
    %get3A_11 = vector.load %arg2[%get3A_9, %get3A_10] : memref<1000x128xf32, #tpu.memory_space<vmem>>, vector<1000x128xf32>
    %add3A_12 = arith.addf %add3A, %get3A_11 : vector<1000x128xf32>
    %get3A_13 = arith.constant 0 : index
    %get3A_14 = arith.constant 0 : index
    %get3A_15 = vector.load %arg3[%get3A_13, %get3A_14] : memref<1000x1xf32, #tpu.memory_space<vmem>>, vector<1000x1xf32>
    %mul3A = vector.broadcast %get3A_15 : vector<1000x1xf32> to vector<1000x128xf32>
    %mul3A_16 = arith.mulf %mul3A, %add3A_12 : vector<1000x128xf32>
    %get3A_17 = arith.constant 0 : index
    %get3A_18 = arith.constant 0 : index
    %get3A_19 = vector.load %arg4[%get3A_17, %get3A_18] : memref<1x128xf32, #tpu.memory_space<vmem>>, vector<1x128xf32>
    %add3A_20 = vector.broadcast %get3A_19 : vector<1x128xf32> to vector<1000x128xf32>
    %add3A_21 = arith.addf %mul3A_16, %add3A_20 : vector<1000x128xf32>
    %max3A = arith.constant 0.000000e+00 : f32
    %max3A_22 = vector.broadcast %max3A : f32 to vector<1000x128xf32>
    %max3A_23 = arith.maximumf %add3A_21, %max3A_22 : vector<1000x128xf32>
    %get3A_24 = arith.constant 0 : index
    %get3A_25 = arith.constant 0 : index
    %get3A_26 = vector.load %arg3[%get3A_24, %get3A_25] : memref<1000x1xf32, #tpu.memory_space<vmem>>, vector<1000x1xf32>
    %get3A_27 = arith.constant 0 : index
    %get3A_28 = arith.constant 0 : index
    %get3A_29 = vector.load %arg5[%get3A_27, %get3A_28] : memref<128x64xf32, #tpu.memory_space<vmem>>, vector<128x64xf32>
    %dot_general3A = arith.constant dense<0.000000e+00> : vector<1000x64xf32>
    %dot_general3A_30 = tpu.matmul %max3A_23, %get3A_29, %dot_general3A {dimension_numbers = #tpu.dot_dimension_numbers<[1], [0], [0], [1], [0, 0, 1, 1], [], []>, transpose_lhs_hint = false} : vector<1000x128xf32>, vector<128x64xf32>, vector<1000x64xf32> -> vector<1000x64xf32>
    %mul3A_31 = vector.broadcast %get3A_26 : vector<1000x1xf32> to vector<1000x64xf32>
    %mul3A_32 = arith.mulf %mul3A_31, %dot_general3A_30 : vector<1000x64xf32>
    %swap3A = arith.constant 0 : index
    %swap3A_33 = arith.constant 0 : index
    %swap3A_34 = vector.load %arg6[%swap3A, %swap3A_33] : memref<1000x64xf32, #tpu.memory_space<vmem>>, vector<1000x64xf32>
    tpu.vector_store %arg6[%swap3A, %swap3A_33], %mul3A_32 {strides = array<i32>} : memref<1000x64xf32, #tpu.memory_space<vmem>>, vector<1000x64xf32>,
    return
  }
  func.func @transform_0(%arg0: i32) -> (i32, i32, i32) {
    %c0_i32 = arith.constant 0 : i32
    %c0_i32_0 = arith.constant 0 : i32
    %c0_i32_1 = arith.constant 0 : i32
    return %c0_i32, %arg0, %c0_i32_0 : i32, i32, i32
  }
  func.func @transform_1(%arg0: i32) -> (i32, i32) {
    %c0_i32 = arith.constant 0 : i32
    %c0_i32_0 = arith.constant 0 : i32
    return %arg0, %c0_i32 : i32, i32
  }
  func.func @transform_2(%arg0: i32) -> (i32, i32) {
    %c0_i32 = arith.constant 0 : i32
    %c0_i32_0 = arith.constant 0 : i32
    return %arg0, %c0_i32 : i32, i32
  }
  func.func @transform_3(%arg0: i32) -> (i32, i32) {
    %c0_i32 = arith.constant 0 : i32
    %c0_i32_0 = arith.constant 0 : i32
    %c0_i32_1 = arith.constant 0 : i32
    return %c0_i32, %c0_i32_0 : i32, i32
  }
  func.func @transform_4(%arg0: i32) -> (i32, i32) {
    %c0_i32 = arith.constant 0 : i32
    %c0_i32_0 = arith.constant 0 : i32
    %c0_i32_1 = arith.constant 0 : i32
    return %c0_i32, %c0_i32_0 : i32, i32
  }
  func.func @transform_5(%arg0: i32) -> (i32, i32) {
    %c0_i32 = arith.constant 0 : i32
    %c0_i32_0 = arith.constant 0 : i32
    return %arg0, %c0_i32 : i32, i32
  }
}

module attributes {stable_mosaic.version = 14 : i64} {
  func.func @body(%arg0: i32, %arg1: memref<2x1000x128xf32, #tpu.memory_space<vmem>>, %arg2: memref<1000x128xf32, #tpu.memory_space<vmem>>, %arg3: memref<128x128xf32, #tpu.memory_space<vmem>>, %arg4: memref<1000x128xf32, #tpu.memory_space<vmem>>, %arg5: memref<1000x1xf32, #tpu.memory_space<vmem>>) attributes {dimension_semantics = [#tpu.dimension_semantics<arbitrary>], iteration_bounds = array<i64: 10>, scalar_prefetch = 0 : i64, scratch_operands = 0 : i64, tpu.core_type = #tpu.core_type<tc>, window_params = [{transform_indices = @transform_0, window_bounds = array<i64: 2, 1000, 128>}, {transform_indices = @transform_1, window_bounds = array<i64: 1000, 128>}, {pipeline_mode = #tpu.pipeline_mode<synchronous>, transform_indices = @transform_2, window_bounds = array<i64: 128, 128>}, {transform_indices = @transform_3, window_bounds = array<i64: 1000, 128>}, {transform_indices = @transform_4, window_bounds = array<i64: 1000, 1>}]} {
    %get3A = arith.constant 0 : index
    %get3A_0 = arith.constant 0 : index
    %get3A_1 = arith.constant 0 : index
    %get3A_2 = vector.load %arg1[%get3A, %get3A_0, %get3A_1] : memref<2x1000x128xf32, #tpu.memory_space<vmem>>, vector<1x1000x1xf32>
    %get3A_3 = vector.shape_cast %get3A_2 : vector<1x1000x1xf32> to vector<1000x1xf32>
    %get3A_4 = arith.constant 1 : index
    %get3A_5 = arith.constant 0 : index
    %get3A_6 = arith.constant 0 : index
    %get3A_7 = vector.load %arg1[%get3A_4, %get3A_5, %get3A_6] : memref<2x1000x128xf32, #tpu.memory_space<vmem>>, vector<1x1000x1xf32>
    %get3A_8 = vector.shape_cast %get3A_7 : vector<1x1000x1xf32> to vector<1000x1xf32>
    %add3A = arith.addf %get3A_3, %get3A_8 : vector<1000x1xf32>
    %add3A_9 = arith.constant 1.000000e+00 : f32
    %add3A_10 = vector.broadcast %add3A_9 : f32 to vector<1000x1xf32>
    %add3A_11 = arith.addf %add3A, %add3A_10 : vector<1000x1xf32>
    %rsqrt3A = math.rsqrt %add3A_11 : vector<1000x1xf32>
    %swap3A = arith.constant 0 : index
    %swap3A_12 = arith.constant 0 : index
    %swap3A_13 = vector.load %arg5[%swap3A, %swap3A_12] : memref<1000x1xf32, #tpu.memory_space<vmem>>, vector<1000x1xf32>
    tpu.vector_store %arg5[%swap3A, %swap3A_12], %rsqrt3A {strides = array<i32>} : memref<1000x1xf32, #tpu.memory_space<vmem>>, vector<1000x1xf32>,
    %get3A_14 = arith.constant 0 : index
    %get3A_15 = arith.constant 0 : index
    %get3A_16 = vector.load %arg2[%get3A_14, %get3A_15] : memref<1000x128xf32, #tpu.memory_space<vmem>>, vector<1000x128xf32>
    %get3A_17 = arith.constant 0 : index
    %get3A_18 = arith.constant 0 : index
    %get3A_19 = vector.load %arg3[%get3A_17, %get3A_18] : memref<128x128xf32, #tpu.memory_space<vmem>>, vector<128x128xf32>
    %dot_general3A = arith.constant dense<0.000000e+00> : vector<1000x128xf32>
    %dot_general3A_20 = tpu.matmul %get3A_16, %get3A_19, %dot_general3A {dimension_numbers = #tpu.dot_dimension_numbers<[1], [0], [0], [1], [0, 0, 1, 1], [], []>, transpose_lhs_hint = false} : vector<1000x128xf32>, vector<128x128xf32>, vector<1000x128xf32> -> vector<1000x128xf32>
    %mul3A = vector.broadcast %rsqrt3A : vector<1000x1xf32> to vector<1000x128xf32>
    %mul3A_21 = arith.mulf %mul3A, %dot_general3A_20 : vector<1000x128xf32>
    %swap3A_22 = arith.constant 0 : index
    %swap3A_23 = arith.constant 0 : index
    %swap3A_24 = vector.load %arg4[%swap3A_22, %swap3A_23] : memref<1000x128xf32, #tpu.memory_space<vmem>>, vector<1000x128xf32>
    tpu.vector_store %arg4[%swap3A_22, %swap3A_23], %mul3A_21 {strides = array<i32>} : memref<1000x128xf32, #tpu.memory_space<vmem>>, vector<1000x128xf32>,
    return
  }
  func.func @transform_0(%arg0: i32) -> (i32, i32, i32) {
    %c0_i32 = arith.constant 0 : i32
    %c0_i32_0 = arith.constant 0 : i32
    %c0_i32_1 = arith.constant 0 : i32
    return %c0_i32, %arg0, %c0_i32_0 : i32, i32, i32
  }
  func.func @transform_1(%arg0: i32) -> (i32, i32) {
    %c0_i32 = arith.constant 0 : i32
    %c0_i32_0 = arith.constant 0 : i32
    return %arg0, %c0_i32 : i32, i32
  }
  func.func @transform_2(%arg0: i32) -> (i32, i32) {
    %c0_i32 = arith.constant 0 : i32
    %c0_i32_0 = arith.constant 0 : i32
    %c0_i32_1 = arith.constant 0 : i32
    return %c0_i32, %c0_i32_0 : i32, i32
  }
  func.func @transform_3(%arg0: i32) -> (i32, i32) {
    %c0_i32 = arith.constant 0 : i32
    %c0_i32_0 = arith.constant 0 : i32
    return %arg0, %c0_i32 : i32, i32
  }
  func.func @transform_4(%arg0: i32) -> (i32, i32) {
    %c0_i32 = arith.constant 0 : i32
    %c0_i32_0 = arith.constant 0 : i32
    return %arg0, %c0_i32 : i32, i32
  }
}

module attributes {stable_mosaic.version = 14 : i64} {
  func.func @body(%arg0: i32, %arg1: memref<2x1000x64xf32, #tpu.memory_space<vmem>>, %arg2: memref<1000x64xf32, #tpu.memory_space<vmem>>, %arg3: memref<1000x1xf32, #tpu.memory_space<vmem>>, %arg4: memref<1x64xf32, #tpu.memory_space<vmem>>, %arg5: memref<1000x64xf32, #tpu.memory_space<vmem>>) attributes {dimension_semantics = [#tpu.dimension_semantics<arbitrary>], iteration_bounds = array<i64: 10>, scalar_prefetch = 0 : i64, scratch_operands = 0 : i64, tpu.core_type = #tpu.core_type<tc>, window_params = [{transform_indices = @transform_0, window_bounds = array<i64: 2, 1000, 64>}, {transform_indices = @transform_1, window_bounds = array<i64: 1000, 64>}, {transform_indices = @transform_2, window_bounds = array<i64: 1000, 1>}, {pipeline_mode = #tpu.pipeline_mode<synchronous>, transform_indices = @transform_3, window_bounds = array<i64: 1, 64>}, {transform_indices = @transform_4, window_bounds = array<i64: 1000, 64>}]} {
    %get3A = arith.constant 0 : index
    %get3A_0 = arith.constant 0 : index
    %get3A_1 = arith.constant 0 : index
    %get3A_2 = vector.load %arg1[%get3A, %get3A_0, %get3A_1] : memref<2x1000x64xf32, #tpu.memory_space<vmem>>, vector<1x1000x64xf32>
    %get3A_3 = vector.shape_cast %get3A_2 : vector<1x1000x64xf32> to vector<1000x64xf32>
    %get3A_4 = arith.constant 1 : index
    %get3A_5 = arith.constant 0 : index
    %get3A_6 = arith.constant 0 : index
    %get3A_7 = vector.load %arg1[%get3A_4, %get3A_5, %get3A_6] : memref<2x1000x64xf32, #tpu.memory_space<vmem>>, vector<1x1000x64xf32>
    %get3A_8 = vector.shape_cast %get3A_7 : vector<1x1000x64xf32> to vector<1000x64xf32>
    %add3A = arith.addf %get3A_3, %get3A_8 : vector<1000x64xf32>
    %get3A_9 = arith.constant 0 : index
    %get3A_10 = arith.constant 0 : index
    %get3A_11 = vector.load %arg2[%get3A_9, %get3A_10] : memref<1000x64xf32, #tpu.memory_space<vmem>>, vector<1000x64xf32>
    %add3A_12 = arith.addf %add3A, %get3A_11 : vector<1000x64xf32>
    %get3A_13 = arith.constant 0 : index
    %get3A_14 = arith.constant 0 : index
    %get3A_15 = vector.load %arg3[%get3A_13, %get3A_14] : memref<1000x1xf32, #tpu.memory_space<vmem>>, vector<1000x1xf32>
    %mul3A = vector.broadcast %get3A_15 : vector<1000x1xf32> to vector<1000x64xf32>
    %mul3A_16 = arith.mulf %mul3A, %add3A_12 : vector<1000x64xf32>
    %get3A_17 = arith.constant 0 : index
    %get3A_18 = arith.constant 0 : index
    %get3A_19 = vector.load %arg4[%get3A_17, %get3A_18] : memref<1x64xf32, #tpu.memory_space<vmem>>, vector<1x64xf32>
    %add3A_20 = vector.broadcast %get3A_19 : vector<1x64xf32> to vector<1000x64xf32>
    %add3A_21 = arith.addf %mul3A_16, %add3A_20 : vector<1000x64xf32>
    %swap3A = arith.constant 0 : index
    %swap3A_22 = arith.constant 0 : index
    %swap3A_23 = vector.load %arg5[%swap3A, %swap3A_22] : memref<1000x64xf32, #tpu.memory_space<vmem>>, vector<1000x64xf32>
    tpu.vector_store %arg5[%swap3A, %swap3A_22], %add3A_21 {strides = array<i32>} : memref<1000x64xf32, #tpu.memory_space<vmem>>, vector<1000x64xf32>,
    return
  }
  func.func @transform_0(%arg0: i32) -> (i32, i32, i32) {
    %c0_i32 = arith.constant 0 : i32
    %c0_i32_0 = arith.constant 0 : i32
    %c0_i32_1 = arith.constant 0 : i32
    return %c0_i32, %arg0, %c0_i32_0 : i32, i32, i32
  }
  func.func @transform_1(%arg0: i32) -> (i32, i32) {
    %c0_i32 = arith.constant 0 : i32
    %c0_i32_0 = arith.constant 0 : i32
    return %arg0, %c0_i32 : i32, i32
  }
  func.func @transform_2(%arg0: i32) -> (i32, i32) {
    %c0_i32 = arith.constant 0 : i32
    %c0_i32_0 = arith.constant 0 : i32
    return %arg0, %c0_i32 : i32, i32
  }
  func.func @transform_3(%arg0: i32) -> (i32, i32) {
    %c0_i32 = arith.constant 0 : i32
    %c0_i32_0 = arith.constant 0 : i32
    %c0_i32_1 = arith.constant 0 : i32
    return %c0_i32, %c0_i32_0 : i32, i32
  }
  func.func @transform_4(%arg0: i32) -> (i32, i32) {
    %c0_i32 = arith.constant 0 : i32
    %c0_i32_0 = arith.constant 0 : i32
    return %arg0, %c0_i32 : i32, i32
  }
}

</mosaic_0001>

<sc_bundles>
// kernel: kernel.11.cloned.1.call-start
scs
__scs_entry_jumppad:
0x0: {  	(pc) =	sbr.rel $0x88, $3  }
0x1: {  	(tag) =	ssettag $0x0;
	lr =	simm.s32 $0x1  }
0x2: {  	[smem:$0x3F9B] =	sst lr;
	_ =	strace $0xD0000000  }
0x3: {  	_ = 	snop  }
0x4: {  	_ = 	snop  }
0x5: {  	_ = 	snop  }
0x6: {  	_ = 	snop  }
0x7: {  	_ = 	snop  }
__scs_overlays_trampoline_lowered:
0x8: {  	[smem:$0x3FAA] =	sst s0  }
0x9: {  	[smem:$0x3FAB] =	sst s1  }
0xa: {  	[smem:$0x3FAC] =	sst s2  }
0xb: {  	[smem:$0x3FAD] =	sst s3  }
0xc: {  	[smem:$0x3FAE] =	sst s4  }
0xd: {  	[smem:$0x3FAF] =	sst s5  }
0xe: {  	[smem:$0x3FB0] =	sst s6  }
0xf: {  	[smem:$0x3FB1] =	sst s7  }
0x10: {  	[smem:$0x3FB2] =	sst s8  }
0x11: {  	[smem:$0x3FB3] =	sst s9;
	s0 =	simm.s32 @!p0 $0x0  }
0x12: {  	s1 =	sld [smem:$0x3F99];
	s0 =	simm.s32 @p0 $0x1  }
0x13: {  	[smem:$0x3FB4] =	sst s0;
	s0 =	simm.s32 @!p1 $0x0  }
0x14: {  	s2 =	sld [smem:$0x3F98];
	s0 =	simm.s32 @p1 $0x1  }
0x15: {  	[smem:$0x3FB5] =	sst s0;
	s0 =	simm.s32 @!p2 $0x0  }
0x16: {  	s3 =	sld [smem:$0x3FDB];
	s0 =	simm.s32 @p2 $0x1  }
0x17: {  	s4 =	simm.s32 $0x1BF5;
	[smem:$0x3FB7] =	sst s0  }
0x18: {  	s0 =	sld [smem:$0x3F9A];
	_ =	swait.ge [sflag:s4], $0x0  }
0x19: {  	s7 =	sld [smem:$0x3F9B]  }
0x1a: {  	s8 =	sadd.s32 $0xFFFFE003, lr  }
0x1b: {  	s9 =	sadd.s32 $0xFFFFFEF7, lr;
	s5 =	simm.s32 $0xFFFFFFFF;
	p2 =	slt.u32 s8, $0xFFFFF086  }
0x1c: {  	p1 =	slt.u32 s9, $0xF7A;
	s5 =	simm.s32 @!p2 $0x0  }
0x1d: {  	s5 =	simm.s32 @p1 $0x1;
	p0 =	seq.s32 s7, s2  }
0x1e: {  	s7 =	smul.u32 @!p0 $0xF7A, s2;
	p2 =	seq.s32 @!p0 s5, $0x0  }
0x1f: {  	s9 =	smul.u32 $0xF7A, s1;
	s8 =	simm.s32 @!p0 $0x1BF5;
	p2 =	por !p2, p0  }
0x20: {  	[sflag:s8] =	ssyncset.s32 @!p0 $0xFFFFF086;
	s6 =	sadd.s32 @!p0 s3, s7;
	s7 =	simm.s32 @!p0 $0x108  }
0x21: {  	s3 =	sadd.s32 s3, s9;
	s6 =	sadd.s32 @!p0 $0x88, s6;
	s7 =	simm.s32 @p2 $0x1082  }
0x22: {  	[simem:s7], [sflag:s8] =	dma.local @!p0 [hbm:s6], $0xF7A  }
0x23: {  	s9 =	sor.u32 $0xD0000000, s2;
	s6 =	simm.s32 $0x108;
	_ =	swait.ge @!p0 [sflag:s8], $0x0  }
0x24: {  	s3 =	sadd.s32 $0x88, s3;
	s6 =	simm.s32 @!p1 $0x1082;
	[sflag:s4] =	ssyncset.s32 $0xFFFFF086  }
0x25: {  	[simem:s6], [sflag:s4] =	dma.local [hbm:s3], $0xF7A  }
0x26: {  	[smem:$0x3F9B] =	sst s1;
	(tag) =	ssettag s2;
	_ =	strace s9  }
0x27: {  	s1 =	sld [smem:$0x3FAB]  }
0x28: {  	s2 =	sld [smem:$0x3FAC]  }
0x29: {  	s4 =	sld [smem:$0x3FAE]  }
0x2a: {  	p0 =	seq.s32 s5, $0x0;
	s5 =	sld [smem:$0x3FAF]  }
0x2b: {  	s6 =	sld [smem:$0x3FB0]  }
0x2c: {  	s7 =	sld [smem:$0x3FB1]  }
0x2d: {  	s3 =	simm.s32 $0x108;
	s8 =	sld [smem:$0x3FB2]  }
0x2e: {  	s3 =	simm.s32 @!p0 $0x1082;
	s9 =	sld [smem:$0x3FB3]  }
0x2f: {  	lr =	sadd.s32 s0, s3;
	s0 =	sld [smem:$0x3FAA]  }
0x30: {  	s3 =	sld [smem:$0x3FAD]  }
0x31: {  	[smem:$0x3FB6] =	sst s10  }
0x32: {  	s10 =	sld [smem:$0x3FB4];
	_ =	sdelay $0x3  }
0x33: {  	p0 =	seq.s32 s10, $0x1;
	s10 =	sld [smem:$0x3FB6];
	_ =	sdelay $0x3  }
0x34: {  	[smem:$0x3FB6] =	sst s10  }
0x35: {  	s10 =	sld [smem:$0x3FB5];
	_ =	sdelay $0x3  }
0x36: {  	p1 =	seq.s32 s10, $0x1;
	s10 =	sld [smem:$0x3FB6];
	_ =	sdelay $0x3  }
0x37: {  	[smem:$0x3FB6] =	sst s10  }
0x38: {  	s10 =	sld [smem:$0x3FB7]  }
0x39: {  	_ = 	snop;
	(pc) =	sbr.ind lr, $3  }
0x3a: {  	_ = 	snop  }
0x3b: {  	_ = 	snop  }
0x3c: {  	p2 =	seq.s32 s10, $0x1;
	s10 =	sld [smem:$0x3FB6]  }
0x3d: {  	_ =	shalt  }
0x3e: {  	_ =	shalt  }
0x3f: {  	_ =	shalt  }
0x40: {  	_ =	shalt  }
0x41: {  	_ =	shalt  }
0x42: {  	_ =	shalt  }
0x43: {  	_ =	shalt  }
0x44: {  	_ =	shalt  }
0x45: {  	_ =	shalt  }
0x46: {  	_ =	shalt  }
0x47: {  	_ =	shalt  }
0x48: {  	_ =	shalt  }
0x49: {  	_ =	shalt  }
0x4a: {  	_ =	shalt  }
0x4b: {  	_ =	shalt  }
0x4c: {  	_ =	shalt  }
0x4d: {  	_ =	shalt  }
0x4e: {  	_ =	shalt  }
0x4f: {  	_ =	shalt  }
0x50: {  	_ =	shalt  }
0x51: {  	_ =	shalt  }
0x52: {  	_ =	shalt  }
0x53: {  	_ =	shalt  }
0x54: {  	_ =	shalt  }
0x55: {  	_ =	shalt  }
0x56: {  	_ =	shalt  }
0x57: {  	_ =	shalt  }
0x58: {  	_ =	shalt  }
0x59: {  	_ =	shalt  }
0x5a: {  	_ =	shalt  }
0x5b: {  	_ =	shalt  }
0x5c: {  	_ =	shalt  }
0x5d: {  	_ =	shalt  }
0x5e: {  	_ =	shalt  }
0x5f: {  	_ =	shalt  }
0x60: {  	_ =	shalt  }
0x61: {  	_ =	shalt  }
0x62: {  	_ =	shalt  }
0x63: {  	_ =	shalt  }
0x64: {  	_ =	shalt  }
0x65: {  	_ =	shalt  }
0x66: {  	_ =	shalt  }
0x67: {  	_ =	shalt  }
0x68: {  	_ =	shalt  }
0x69: {  	_ =	shalt  }
0x6a: {  	_ =	shalt  }
0x6b: {  	_ =	shalt  }
0x6c: {  	_ =	shalt  }
0x6d: {  	_ =	shalt  }
0x6e: {  	_ =	shalt  }
0x6f: {  	_ =	shalt  }
0x70: {  	_ =	shalt  }
0x71: {  	_ =	shalt  }
0x72: {  	_ =	shalt  }
0x73: {  	_ =	shalt  }
0x74: {  	_ =	shalt  }
0x75: {  	_ =	shalt  }
0x76: {  	_ =	shalt  }
0x77: {  	_ =	shalt  }
0x78: {  	_ =	shalt  }
0x79: {  	_ =	shalt  }
0x7a: {  	_ =	shalt  }
0x7b: {  	_ =	shalt  }
0x7c: {  	_ =	shalt  }
0x7d: {  	_ =	shalt  }
0x7e: {  	_ =	shalt  }
0x7f: {  	_ =	shalt  }
0x80: {  	_ =	shalt  }
0x81: {  	_ =	shalt  }
0x82: {  	_ =	shalt  }
0x83: {  	_ =	shalt  }
0x84: {  	_ =	shalt  }
0x85: {  	_ =	shalt  }
0x86: {  	_ =	shalt  }
0x87: {  	_ =	shalt  }
.Lfunc_end0:
.L_simem_size_0:
called_computation.1_lowered:
.L_overlay_start_0:
0x88: {  	s2 =	sld [smem:$0x3FD9]  }
0x89: {  	s3 =	sld [smem:$0x3FFE];
	_ =	sdelay $0x1  }
0x8a: {  	s1 =	srdreg.scid  }
0x8b: {  	s0 =	sand.u32 $0x1, s1  }
0x8c: {  	s16 =	sshll.u32 s0, $0xA;
	s2 =	sadd.s32 s3, s2  }
0x8d: {  	s2 =	sadd.s32 s2, s16  }
0x8e: {  	[smem:$0x3FC2] =	sst s2  }
0x8f: {  	_ = 	snop  }
0x90: {  	(tm) =	ssettm $0x1  }
0x91: {  	s17 =	sld [smem:$0x3FFB];
	_ =	sdelay $0x3  }
0x92: {  	_ =	strace s17  }
0x93: {  	s2 =	sld [smem:$0x3FFC];
	_ =	sdelay $0x3  }
0x94: {  	_ =	strace s2  }
0x95: {  	s2 =	sld [smem:$0x3FFD];
	_ =	sdelay $0x3  }
0x96: {  	_ =	strace s2  }
0x97: {  	_ =	strace $0x8FFFFFFF  }
0x98: {  	s18 =	sld [smem:$0x3FDB];
	_ =	sdelay $0x1  }
0x99: {  	s19 =	simm.s32 $_scs_section_size  }
0x9a: {  	s4 =	simm.s32 $_size__tile_overlayer_lowered;
	s5 =	simm.s32 $_tile_overlayer_lowered  }
0x9b: {  	s22 =	simm.s32 $0x1BFF;
	s21 =	sshll.u32 s5, $0x1;
	s2 =	sadd.s32 s19, s18  }
0x9c: {  	s6 =	simm.s32 $0x0;
	s20 =	sshll.u32 s4, $0x1;
	s4 =	sadd.s32 s21, s2  }
0x9d: {  	[timem:s6], [sflag:s22] =	dma.local [hbm:s4], s20  }
0x9e: {  	_ =	swait.ge [sflag:s22], s20  }
0x9f: {  	s3 =	ssub.s32 $0x0, s20;
	[sflag:s22] =	ssyncset.done $0x0  }
0xa0: {  	[sflag:s22] =	ssyncadd.s32 s3;
	_ =	sdelay $0x1  }
0xa1: {  	s23 =	simm.s32 $0x1B8B  }
0xa2: {  	_ =	swait.ge [sflag:s23], $0x1  }
0xa3: {  	[sflag:s23] =	ssyncset.done $0x0  }
0xa4: {  	s25 =	simm.s32 $0x1B8E;
	s24 =	sld [smem:$0x3FFE];
	[sflag:s23] =	ssyncadd.s32 $0xFFFFFFFF  }
0xa5: {  	s26 =	simm.s32 $execute0_lowered;
	[smem:$0x3FD2] =	sst s25  }
0xa6: {  	s4 =	sshll.u32 s26, $0x1;
	_ =	strace $0x80000049;
	[dreg:$0x1] =	wrdreg $0xFFFFFFFF  }
0xa7: {  	s28 =	simm.s32 $_size_execute0_lowered;
	s2 =	sadd.s32 s2, s4;
	[dreg:$0x0] =	wrdreg $0x0  }
0xa8: {  	s4 =	sshll.u32 s28, $0x1;
	[dreg:$0x2] =	wrdreg s2  }
0xa9: {  	[dreg:$0x3] =	wrdreg s4  }
0xaa: {  	[dreg:$0x4] =	wrdreg $0xC0  }
0xab: {  	_ =	task [dreg:s6], $0x5FFFF  }
0xac: {  	[dreg:$0x1] =	wrdreg $0xFFFFFFFF  }
0xad: {  	[dreg:$0x0] =	wrdreg $0x60  }
0xae: {  	[dreg:$0x2] =	wrdreg s24  }
0xaf: {  	[dreg:$0x3] =	wrdreg $0x41000  }
0xb0: {  	[dreg:$0x4] =	wrdreg $0x9  }
0xb1: {  	_ =	task.clear_ibuf [dreg:s6], $0x5FFFF;
	_ =	strace $0x90000049  }
0xb2: {  	s29 =	simm.s32 $0x9;
	_ =	strace $0x8000004B  }
0xb3: {  	_ =	swait.ge [sflag:s29], $0x1  }
0xb4: {  	[sflag:s29] =	ssyncadd.s32 $0xFFFFFFFF  }
0xb5: {  	_ =	strace $0x9000004B  }
0xb6: {  	_ =	sfence  }
0xb7: {  	s30 =	sld [smem:$0x0];
	_ =	sdelay $0x2  }
0xb8: {  	s31 =	sshll.u32 s1, $0xD;
	s1 =	sshrl.u32 s1, $0x2  }
0xb9: {  	s3 =	sand.u32 $0x4000, s31;
	s1 =	sadd.s32 s1, s30  }
0xba: {  	s0 =	sor.u32 s3, s0;
	s1 =	sshll.u32 s1, $0x11  }
0xbb: {  	s0 =	sor.u32 s1, s0  }
0xbc: {  	s0 =	sadd.s32 $0x8F2B, s0  }
0xbd: {  	[sflag:s0] =	ssyncadd.remote.s32 $0x1  }
0xbe: {  	_ =	sfence.sel $0xFFFF  }
0xbf: {  	[dreg:$0x0] =	wrdreg $0xFFFFFFFF;
	(pc) =	sbr.abs _section_cstart, $3  }
0xc0: {  	[dreg:$0x1] =	wrdreg $0xFFFFFFFF  }
0xc1: {  	_ =	task.clear_ibuf [dreg:s6], $0x2FFFF;
	_ =	strace $0x9FFFFFFF  }
0xc2: {  	(tm) =	ssettm $0x7FFFFFFF  }
0xc3: {  	_ =	shalt  }
tec
execute0_lowered:
.L_overlay_start_1:
0x0: {  	(tag) =	ssettag $0x1  }
0x1: {  	s5 =	rddreg [dreg:$0x0]  }
0x2: {  	s1 =	rddreg [dreg:$0x1];
	s3 =	srdreg.scid  }
0x3: {  	s0 =	rddreg [dreg:$0x2];
	s6 =	sand.u32 $0x1, s3  }
0x4: {  	s2 =	simm.s32 $0x0;
	s3 =	stileid.u32;
	s7 =	smul.u32 $0x5000, s6  }
0x5: {  	s13 =	simm.s32 $0x100;
	s14 =	simm.s32 $0x1;
	s15 =	smul.u32 $0x2780, s3  }
0x6: {  	[smem:$0x7FF] =	sst s2;
	s4 =	sadd.s32 $0x3D800, s5;
	s8 =	smul.u32 $0x27800, s6  }
0x7: {  	_ =	strace $0x8000004A;
	s6 =	ssub.s32 $0x2, s6;
	s10 =	smul.u32 $0x4F000, s3  }
0x8: {  	s30 =	sshll.u32 s3, $0x6;
	s31 =	smul.u32 $0x500, s3;
	s28 =	sshrl.u32 s6, $0x1  }
0x9: {  	s9 =	sadd.s32 s7, s5;
	s11 =	sadd.s32 s15, s5;
	s8 =	sadd.s32 s8, s5  }
0xa: {  	s7 =	ssub.s32 s6, s28;
	s29 =	sshrl.u32 s10, $0x2;
	s6 =	sor.u32 $0x1C02, s30  }
0xb: {  	s12 =	sadd.s32 s29, s1;
	s5 =	sadd.s32 $0x16000, s11;
	s16 =	sadd.s32 $0x64A00, s8  }
0xc: {  	s7 =	smax.u32 s7, $0x1;
	s9 =	sadd.s32 s31, s9;
	s11 =	simm.s32 $0x2  }
0xd: {  	s8 =	sadd.s32 $0xC000, s9;
	s9 =	sadd.s32 $0x2000, s9;
	s10 =	sshrl.u32 s12, $0x3  }
0xe: {  	s12 =	simm.s32 $0x80;
	s15 =	sadd.s32 s15, s16;
	s16 =	simm.s32 $0x0  }
.LBB2_1:
0xf: {  	[spmem:s10], [sflag:s6] =	dma.local [hbm:s5], $0x2780  }
0x10: {  	_ =	swait.ge [sflag:s11], $0x2780  }
0x11: {  	[sflag:s11] =	ssyncset.done $0x0  }
0x12: {  	[sflag:s11] =	ssyncadd.s32 $0xFFFFD880  }
0x13: {  	s17 =	sadd.s32 $0x0, s9;
	[bflag:$0x0] =	sbarrier.arrive $0xFFFF  }
0x14: {  	[tilespmem:s2], [sflag:$0x2] =	stream.linear.gather [hbm4b:s17+s2], $0x80, $0x38;
	[tilespmem:$0x17D00] =	vst v63  }
0x15: {  	_ =	swait.ge [sflag:s11], $0x80  }
0x16: {  	[sflag:s11] =	ssyncset.done $0x0  }
0x17: {  	[sflag:s11] =	ssyncadd.s32 $0xFFFFFF80  }
0x18: {  	[tilespmem:s13], [sflag:$0x1] =	stream.indirect.gather [hbm4b:s4+s12], $0x80, s2, s12, $0xb8;
	[tilespmem:$0x17D00] =	vst v63  }
0x19: {  	_ =	swait.ge [sflag:s14], $0x4000  }
0x1a: {  	[sflag:s14] =	ssyncset.done $0x0  }
0x1b: {  	s31 =	sadd.s32 $0x0, s8;
	[sflag:s14] =	ssyncadd.s32 $0xFFFFC000  }
0x1c: {  	[tilespmem:s12], [sflag:$0x2] =	stream.linear.gather [hbm4b:s31+s2], $0x80, $0x38;
	[tilespmem:$0x17D00] =	vst v63  }
0x1d: {  	_ =	swait.ge [sflag:s11], $0x80  }
0x1e: {  	[sflag:s11] =	ssyncset.done $0x0  }
0x1f: {  	[sflag:s11] =	ssyncadd.s32 $0xFFFFFF80  }
0x20: {  	[spmem:s1] =	stream.indirect.scatter.add.f32 [tilespmem:s13], [sflag:$0x2], $0x80, s12, s12, $0xb8;
	[tilespmem:$0x17D00] =	vst v63  }
0x21: {  	_ =	swait.ge [sflag:s11], $0x4000  }
0x22: {  	s18 =	simm.s32 $0x20;
	s17 =	simm.s32 $0x10;
	[sflag:s11] =	ssyncset.done $0x0  }
.LBB2_2:
0x23: {  	s19 =	sadd.s32 s17, s9  }
0x24: {  	[sflag:s11] =	ssyncadd.s32 $0xFFFFC000;
	s20 =	smov.u32 s18;
	s21 =	sadd.s32 $0x10, s18  }
0x25: {  	[tilespmem:s2], [sflag:$0x2] =	stream.linear.gather [hbm4b:s19+s2], $0x80, $0x38;
	[tilespmem:$0x17D00] =	vst v63  }
0x26: {  	p0 =	sne.s32 s18, $0x4F0;
	_ =	swait.ge [sflag:s11], $0x80  }
0x27: {  	[sflag:s11] =	ssyncset.done $0x0  }
0x28: {  	[sflag:s11] =	ssyncadd.s32 $0xFFFFFF80  }
0x29: {  	[tilespmem:s13], [sflag:$0x1] =	stream.indirect.gather [hbm4b:s4+s12], $0x80, s2, s12, $0xb8;
	[tilespmem:$0x17D00] =	vst v63  }
0x2a: {  	_ =	swait.ge [sflag:s14], $0x4000  }
0x2b: {  	[sflag:s14] =	ssyncset.done $0x0  }
0x2c: {  	s18 =	sadd.s32 s17, s8;
	s17 =	smov.u32 s20;
	[sflag:s14] =	ssyncadd.s32 $0xFFFFC000  }
0x2d: {  	[tilespmem:s12], [sflag:$0x2] =	stream.linear.gather [hbm4b:s18+s2], $0x80, $0x38;
	[tilespmem:$0x17D00] =	vst v63  }
0x2e: {  	_ =	swait.ge [sflag:s11], $0x80  }
.Ltmp0:
0x2f: {  	[sflag:s11] =	ssyncset.done $0x0;
	(pc) =	sbr.rel @p0 .LBB2_2-.Ltmp0, $4  }
0x30: {  	[sflag:s11] =	ssyncadd.s32 $0xFFFFFF80  }
0x31: {  	[spmem:s1] =	stream.indirect.scatter.add.f32 [tilespmem:s13], [sflag:$0x2], $0x80, s12, s12, $0xb8;
	[tilespmem:$0x17D00] =	vst v63  }
0x32: {  	_ =	swait.ge [sflag:s11], $0x4000  }
0x33: {  	s18 =	smov.u32 s21;
	[sflag:s11] =	ssyncset.done $0x0  }
0x34: {  	s18 =	sadd.s32 s17, s9;
	[sflag:s11] =	ssyncadd.s32 $0xFFFFC000  }
0x35: {  	[tilespmem:s2], [sflag:$0x2] =	stream.linear.gather [hbm4b:s18+s2], $0x80, $0x38;
	[tilespmem:$0x17D00] =	vst v63  }
0x36: {  	_ =	swait.ge [sflag:s11], $0x80  }
0x37: {  	[sflag:s11] =	ssyncset.done $0x0  }
0x38: {  	[sflag:s11] =	ssyncadd.s32 $0xFFFFFF80  }
0x39: {  	[tilespmem:s13], [sflag:$0x1] =	stream.indirect.gather [hbm4b:s4+s12], $0x80, s2, s12, $0xb8;
	[tilespmem:$0x17D00] =	vst v63  }
0x3a: {  	_ =	swait.ge [sflag:s14], $0x4000  }
0x3b: {  	[sflag:s14] =	ssyncset.done $0x0  }
0x3c: {  	s31 =	sadd.s32 s17, s8;
	[sflag:s14] =	ssyncadd.s32 $0xFFFFC000  }
0x3d: {  	[tilespmem:s12], [sflag:$0x2] =	stream.linear.gather [hbm4b:s31+s2], $0x80, $0x38;
	[tilespmem:$0x17D00] =	vst v63  }
0x3e: {  	_ =	swait.ge [sflag:s11], $0x80  }
0x3f: {  	[sflag:s11] =	ssyncset.done $0x0  }
0x40: {  	[sflag:s11] =	ssyncadd.s32 $0xFFFFFF80  }
0x41: {  	[spmem:s1] =	stream.indirect.scatter.add.f32 [tilespmem:s13], [sflag:$0x2], $0x80, s12, s12, $0xb8;
	[tilespmem:$0x17D00] =	vst v63  }
0x42: {  	_ =	swait.ge [sflag:s11], $0x4000  }
0x43: {  	s16 =	sadd.s32 $0x1, s16;
	[sflag:s11] =	ssyncset.done $0x0  }
0x44: {  	p0 =	sne.s32 s16, s7;
	[sflag:s11] =	ssyncadd.s32 $0xFFFFC000  }
.Ltmp1:
0x45: {  	[bflag:$0x0] =	sbarrier.arrive $0xFFFF;
	(pc) =	sbr.rel @p0 .LBB2_1-.Ltmp1, $4  }
0x46: {  	[hbm:s15], [sflag:s6] =	dma.local [spmem:s10], $0x2780  }
0x47: {  	_ =	swait.ge [sflag:s11], $0x2780  }
0x48: {  	[sflag:s11] =	ssyncset.done $0x0  }
0x49: {  	[sflag:s11] =	ssyncadd.s32 $0xFFFFD880  }
0x4a: {  	_ =	sfence.sel $0x180000  }
0x4b: {  	[bflag:$0x0] =	sbarrier.arrive $0xFFFF  }
0x4c: {  	p0 =	sne.s32 s3, $0x0;
	_ =	strace $0x9000004A  }
0x4d: {  	s0 =	sadd.s32 @!p0 $0x100000, s0;
	[bflag:$0x2] =	sbarrier.arrive $0xFFFF  }
0x4e: {  	[sflag:s0] =	ssyncadd.tile.s32 @!p0 $0x1;
	_ =	shalt  }
.Lfunc_end2:
_tile_overlayer_lowered:
.L_overlay_start_2:
0x4f: {  	(tag) =	ssettag $0x2  }
0x50: {  	s0 =	rddreg [dreg:$0x0];
	s2 =	stileid.u32  }
0x51: {  	s1 =	rddreg [dreg:$0x1];
	p0 =	sne.s32 s2, $0x0  }
0x52: {  	s3 =	rddreg [dreg:$0x2];
	[bflag:$0x3] =	sbarrier.arrive $0xFFFF;
	s2 =	simm.s32 @!p0 $0x1C02  }
0x53: {  	[timem:s3], [sflag:s2] =	dma.local @!p0 [hbm:s0], s1  }
0x54: {  	s0 =	simm.s32 @!p0 $0x2  }
0x55: {  	_ =	swait.ge @!p0 [sflag:s0], s1  }
0x56: {  	s1 =	ssub.s32 @!p0 $0x0, s1;
	[sflag:s0] =	ssyncset.done @!p0 $0x0  }
0x57: {  	[sflag:s0] =	ssyncadd.s32 @!p0 s1  }
0x58: {  	[bflag:$0x3] =	sbarrier.arrive $0xFFFF  }
0x59: {  	_ =	shalt  }

// kernel: kernel.14.cloned.1.call-start
scs
__scs_entry_jumppad:
0x0: {  	(pc) =	sbr.rel $0x88, $3  }
0x1: {  	(tag) =	ssettag $0x0;
	lr =	simm.s32 $0x1  }
0x2: {  	[smem:$0x3F9B] =	sst lr;
	_ =	strace $0xD0000000  }
0x3: {  	_ = 	snop  }
0x4: {  	_ = 	snop  }
0x5: {  	_ = 	snop  }
0x6: {  	_ = 	snop  }
0x7: {  	_ = 	snop  }
__scs_overlays_trampoline_lowered:
0x8: {  	[smem:$0x3FAA] =	sst s0  }
0x9: {  	[smem:$0x3FAB] =	sst s1  }
0xa: {  	[smem:$0x3FAC] =	sst s2  }
0xb: {  	[smem:$0x3FAD] =	sst s3  }
0xc: {  	[smem:$0x3FAE] =	sst s4  }
0xd: {  	[smem:$0x3FAF] =	sst s5  }
0xe: {  	[smem:$0x3FB0] =	sst s6  }
0xf: {  	[smem:$0x3FB1] =	sst s7  }
0x10: {  	[smem:$0x3FB2] =	sst s8  }
0x11: {  	[smem:$0x3FB3] =	sst s9;
	s0 =	simm.s32 @!p0 $0x0  }
0x12: {  	s1 =	sld [smem:$0x3F99];
	s0 =	simm.s32 @p0 $0x1  }
0x13: {  	[smem:$0x3FB4] =	sst s0;
	s0 =	simm.s32 @!p1 $0x0  }
0x14: {  	s2 =	sld [smem:$0x3F98];
	s0 =	simm.s32 @p1 $0x1  }
0x15: {  	[smem:$0x3FB5] =	sst s0;
	s0 =	simm.s32 @!p2 $0x0  }
0x16: {  	s3 =	sld [smem:$0x3FDB];
	s0 =	simm.s32 @p2 $0x1  }
0x17: {  	s4 =	simm.s32 $0x1BF5;
	[smem:$0x3FB7] =	sst s0  }
0x18: {  	s0 =	sld [smem:$0x3F9A];
	_ =	swait.ge [sflag:s4], $0x0  }
0x19: {  	s7 =	sld [smem:$0x3F9B]  }
0x1a: {  	s8 =	sadd.s32 $0xFFFFE003, lr  }
0x1b: {  	s9 =	sadd.s32 $0xFFFFFEF7, lr;
	s5 =	simm.s32 $0xFFFFFFFF;
	p2 =	slt.u32 s8, $0xFFFFF086  }
0x1c: {  	p1 =	slt.u32 s9, $0xF7A;
	s5 =	simm.s32 @!p2 $0x0  }
0x1d: {  	s5 =	simm.s32 @p1 $0x1;
	p0 =	seq.s32 s7, s2  }
0x1e: {  	s7 =	smul.u32 @!p0 $0xF7A, s2;
	p2 =	seq.s32 @!p0 s5, $0x0  }
0x1f: {  	s9 =	smul.u32 $0xF7A, s1;
	s8 =	simm.s32 @!p0 $0x1BF5;
	p2 =	por !p2, p0  }
0x20: {  	[sflag:s8] =	ssyncset.s32 @!p0 $0xFFFFF086;
	s6 =	sadd.s32 @!p0 s3, s7;
	s7 =	simm.s32 @!p0 $0x108  }
0x21: {  	s3 =	sadd.s32 s3, s9;
	s6 =	sadd.s32 @!p0 $0x88, s6;
	s7 =	simm.s32 @p2 $0x1082  }
0x22: {  	[simem:s7], [sflag:s8] =	dma.local @!p0 [hbm:s6], $0xF7A  }
0x23: {  	s9 =	sor.u32 $0xD0000000, s2;
	s6 =	simm.s32 $0x108;
	_ =	swait.ge @!p0 [sflag:s8], $0x0  }
0x24: {  	s3 =	sadd.s32 $0x88, s3;
	s6 =	simm.s32 @!p1 $0x1082;
	[sflag:s4] =	ssyncset.s32 $0xFFFFF086  }
0x25: {  	[simem:s6], [sflag:s4] =	dma.local [hbm:s3], $0xF7A  }
0x26: {  	[smem:$0x3F9B] =	sst s1;
	(tag) =	ssettag s2;
	_ =	strace s9  }
0x27: {  	s1 =	sld [smem:$0x3FAB]  }
0x28: {  	s2 =	sld [smem:$0x3FAC]  }
0x29: {  	s4 =	sld [smem:$0x3FAE]  }
0x2a: {  	p0 =	seq.s32 s5, $0x0;
	s5 =	sld [smem:$0x3FAF]  }
0x2b: {  	s6 =	sld [smem:$0x3FB0]  }
0x2c: {  	s7 =	sld [smem:$0x3FB1]  }
0x2d: {  	s3 =	simm.s32 $0x108;
	s8 =	sld [smem:$0x3FB2]  }
0x2e: {  	s3 =	simm.s32 @!p0 $0x1082;
	s9 =	sld [smem:$0x3FB3]  }
0x2f: {  	lr =	sadd.s32 s0, s3;
	s0 =	sld [smem:$0x3FAA]  }
0x30: {  	s3 =	sld [smem:$0x3FAD]  }
0x31: {  	[smem:$0x3FB6] =	sst s10  }
0x32: {  	s10 =	sld [smem:$0x3FB4];
	_ =	sdelay $0x3  }
0x33: {  	p0 =	seq.s32 s10, $0x1;
	s10 =	sld [smem:$0x3FB6];
	_ =	sdelay $0x3  }
0x34: {  	[smem:$0x3FB6] =	sst s10  }
0x35: {  	s10 =	sld [smem:$0x3FB5];
	_ =	sdelay $0x3  }
0x36: {  	p1 =	seq.s32 s10, $0x1;
	s10 =	sld [smem:$0x3FB6];
	_ =	sdelay $0x3  }
0x37: {  	[smem:$0x3FB6] =	sst s10  }
0x38: {  	s10 =	sld [smem:$0x3FB7]  }
0x39: {  	_ = 	snop;
	(pc) =	sbr.ind lr, $3  }
0x3a: {  	_ = 	snop  }
0x3b: {  	_ = 	snop  }
0x3c: {  	p2 =	seq.s32 s10, $0x1;
	s10 =	sld [smem:$0x3FB6]  }
0x3d: {  	_ =	shalt  }
0x3e: {  	_ =	shalt  }
0x3f: {  	_ =	shalt  }
0x40: {  	_ =	shalt  }
0x41: {  	_ =	shalt  }
0x42: {  	_ =	shalt  }
0x43: {  	_ =	shalt  }
0x44: {  	_ =	shalt  }
0x45: {  	_ =	shalt  }
0x46: {  	_ =	shalt  }
0x47: {  	_ =	shalt  }
0x48: {  	_ =	shalt  }
0x49: {  	_ =	shalt  }
0x4a: {  	_ =	shalt  }
0x4b: {  	_ =	shalt  }
0x4c: {  	_ =	shalt  }
0x4d: {  	_ =	shalt  }
0x4e: {  	_ =	shalt  }
0x4f: {  	_ =	shalt  }
0x50: {  	_ =	shalt  }
0x51: {  	_ =	shalt  }
0x52: {  	_ =	shalt  }
0x53: {  	_ =	shalt  }
0x54: {  	_ =	shalt  }
0x55: {  	_ =	shalt  }
0x56: {  	_ =	shalt  }
0x57: {  	_ =	shalt  }
0x58: {  	_ =	shalt  }
0x59: {  	_ =	shalt  }
0x5a: {  	_ =	shalt  }
0x5b: {  	_ =	shalt  }
0x5c: {  	_ =	shalt  }
0x5d: {  	_ =	shalt  }
0x5e: {  	_ =	shalt  }
0x5f: {  	_ =	shalt  }
0x60: {  	_ =	shalt  }
0x61: {  	_ =	shalt  }
0x62: {  	_ =	shalt  }
0x63: {  	_ =	shalt  }
0x64: {  	_ =	shalt  }
0x65: {  	_ =	shalt  }
0x66: {  	_ =	shalt  }
0x67: {  	_ =	shalt  }
0x68: {  	_ =	shalt  }
0x69: {  	_ =	shalt  }
0x6a: {  	_ =	shalt  }
0x6b: {  	_ =	shalt  }
0x6c: {  	_ =	shalt  }
0x6d: {  	_ =	shalt  }
0x6e: {  	_ =	shalt  }
0x6f: {  	_ =	shalt  }
0x70: {  	_ =	shalt  }
0x71: {  	_ =	shalt  }
0x72: {  	_ =	shalt  }
0x73: {  	_ =	shalt  }
0x74: {  	_ =	shalt  }
0x75: {  	_ =	shalt  }
0x76: {  	_ =	shalt  }
0x77: {  	_ =	shalt  }
0x78: {  	_ =	shalt  }
0x79: {  	_ =	shalt  }
0x7a: {  	_ =	shalt  }
0x7b: {  	_ =	shalt  }
0x7c: {  	_ =	shalt  }
0x7d: {  	_ =	shalt  }
0x7e: {  	_ =	shalt  }
0x7f: {  	_ =	shalt  }
0x80: {  	_ =	shalt  }
0x81: {  	_ =	shalt  }
0x82: {  	_ =	shalt  }
0x83: {  	_ =	shalt  }
0x84: {  	_ =	shalt  }
0x85: {  	_ =	shalt  }
0x86: {  	_ =	shalt  }
0x87: {  	_ =	shalt  }
.Lfunc_end0:
.L_simem_size_0:
called_computation.2_lowered:
.L_overlay_start_0:
0x88: {  	s2 =	sld [smem:$0x3FD9]  }
0x89: {  	s3 =	sld [smem:$0x3FFE];
	_ =	sdelay $0x1  }
0x8a: {  	s1 =	srdreg.scid  }
0x8b: {  	s0 =	sand.u32 $0x1, s1  }
0x8c: {  	s17 =	sshll.u32 s0, $0xA;
	s2 =	sadd.s32 s3, s2  }
0x8d: {  	s2 =	sadd.s32 s2, s17  }
0x8e: {  	[smem:$0x3FC2] =	sst s2  }
0x8f: {  	_ = 	snop  }
0x90: {  	s2 =	sld [smem:$0x3FD0];
	(tm) =	ssettm $0x1  }
0x91: {  	s18 =	sld [smem:$0x3FFB];
	_ =	sdelay $0x3  }
0x92: {  	_ =	strace s18  }
0x93: {  	s3 =	sld [smem:$0x3FFC];
	_ =	sdelay $0x3  }
0x94: {  	_ =	strace s3  }
0x95: {  	s3 =	sld [smem:$0x3FFD];
	_ =	sdelay $0x3  }
0x96: {  	_ =	strace s3  }
0x97: {  	_ =	strace $0x8FFFFFFF  }
0x98: {  	s19 =	sld [smem:$0x3FDB];
	_ =	sdelay $0x1  }
0x99: {  	s4 =	simm.s32 $_scs_section_size  }
0x9a: {  	s5 =	simm.s32 $_size__tile_overlayer_lowered;
	s6 =	simm.s32 $_tile_overlayer_lowered  }
0x9b: {  	s22 =	simm.s32 $0x1BFF;
	s21 =	sshll.u32 s6, $0x1;
	s3 =	sadd.s32 s4, s19  }
0x9c: {  	s7 =	simm.s32 $0x0;
	s20 =	sshll.u32 s5, $0x1;
	s5 =	sadd.s32 s21, s3  }
0x9d: {  	[timem:s7], [sflag:s22] =	dma.local [hbm:s5], s20  }
0x9e: {  	_ =	swait.ge [sflag:s22], s20  }
0x9f: {  	s4 =	ssub.s32 $0x0, s20;
	[sflag:s22] =	ssyncset.done $0x0  }
0xa0: {  	[sflag:s22] =	ssyncadd.s32 s4;
	_ =	sdelay $0x1  }
0xa1: {  	s23 =	simm.s32 $0x1B8B  }
0xa2: {  	_ =	swait.ge [sflag:s23], $0x1  }
0xa3: {  	[sflag:s23] =	ssyncset.done $0x0  }
0xa4: {  	s25 =	simm.s32 $0x1B8E;
	s24 =	sld [smem:$0x3FFE];
	[sflag:s23] =	ssyncadd.s32 $0xFFFFFFFF  }
0xa5: {  	s26 =	simm.s32 $execute0_lowered;
	[smem:$0x3FD2] =	sst s25  }
0xa6: {  	s5 =	sshll.u32 s26, $0x1;
	_ =	strace $0x8000004C;
	[dreg:$0x1] =	wrdreg $0xFFFFFFFF  }
0xa7: {  	s28 =	simm.s32 $_size_execute0_lowered;
	s3 =	sadd.s32 s3, s5;
	[dreg:$0x0] =	wrdreg $0x0  }
0xa8: {  	s5 =	sshll.u32 s28, $0x1;
	[dreg:$0x2] =	wrdreg s3  }
0xa9: {  	[dreg:$0x3] =	wrdreg s5  }
0xaa: {  	[dreg:$0x4] =	wrdreg $0xC0  }
0xab: {  	_ =	task [dreg:s7], $0x5FFFF  }
0xac: {  	[dreg:$0x1] =	wrdreg $0xFFFFFFFF  }
0xad: {  	[dreg:$0x0] =	wrdreg $0x60  }
0xae: {  	[dreg:$0x2] =	wrdreg s24  }
0xaf: {  	[dreg:$0x3] =	wrdreg s2  }
0xb0: {  	[dreg:$0x4] =	wrdreg $0x21000  }
0xb1: {  	[dreg:$0x5] =	wrdreg $0x9  }
0xb2: {  	_ =	task.clear_ibuf [dreg:s7], $0x6FFFF;
	_ =	strace $0x9000004C  }
0xb3: {  	s29 =	simm.s32 $0x9;
	_ =	strace $0x8000004E  }
0xb4: {  	_ =	swait.ge [sflag:s29], $0x1  }
0xb5: {  	[sflag:s29] =	ssyncadd.s32 $0xFFFFFFFF  }
0xb6: {  	_ =	strace $0x9000004E  }
0xb7: {  	_ =	sfence  }
0xb8: {  	s30 =	sld [smem:$0x0];
	_ =	sdelay $0x2  }
0xb9: {  	s31 =	sshll.u32 s1, $0xD;
	s1 =	sshrl.u32 s1, $0x2  }
0xba: {  	s3 =	sand.u32 $0x4000, s31;
	s1 =	sadd.s32 s1, s30  }
0xbb: {  	s0 =	sor.u32 s3, s0;
	s1 =	sshll.u32 s1, $0x11  }
0xbc: {  	s0 =	sor.u32 s1, s0  }
0xbd: {  	s0 =	sadd.s32 $0x8F2B, s0  }
0xbe: {  	[sflag:s0] =	ssyncadd.remote.s32 $0x1  }
0xbf: {  	_ =	sfence.sel $0xFFFF  }
0xc0: {  	[dreg:$0x0] =	wrdreg $0xFFFFFFFF;
	(pc) =	sbr.abs _section_cstart, $3  }
0xc1: {  	[dreg:$0x1] =	wrdreg $0xFFFFFFFF  }
0xc2: {  	_ =	task.clear_ibuf [dreg:s7], $0x2FFFF;
	_ =	strace $0x9FFFFFFF  }
0xc3: {  	(tm) =	ssettm $0x7FFFFFFF  }
tec
execute0_lowered:
.L_overlay_start_1:
0x0: {  	(tag) =	ssettag $0x1  }
0x1: {  	s5 =	rddreg [dreg:$0x0]  }
0x2: {  	s6 =	rddreg [dreg:$0x1];
	s0 =	srdreg.scid  }
0x3: {  	s2 =	rddreg [dreg:$0x2];
	s1 =	stileid.u32  }
0x4: {  	s3 =	simm.s32 $0x0;
	s12 =	simm.s32 $0x80;
	s13 =	simm.s32 $0x100  }
0x5: {  	s4 =	sand.u32 $0x1, s0;
	s0 =	rddreg [dreg:$0x3];
	s8 =	smul.u32 $0x2800, s1  }
0x6: {  	s14 =	simm.s32 $0x1;
	[smem:$0x7FF] =	sst s3;
	s10 =	smul.u32 $0x9E00, s1  }
0x7: {  	s31 =	sshll.u32 s1, $0x6;
	s7 =	smul.u32 $0x28000, s4;
	_ =	strace $0x8000004D  }
0x8: {  	s29 =	smul.u32 $0x13C00, s4;
	s9 =	ssub.s32 $0x2, s4;
	s4 =	sadd.s32 $0x16000, s5  }
0x9: {  	s30 =	sshrl.u32 s9, $0x1;
	s15 =	sshrl.u32 s10, $0x3;
	s7 =	sadd.s32 s8, s7  }
0xa: {  	s10 =	sadd.s32 s10, s2;
	s8 =	sadd.s32 s29, s5;
	s7 =	sshrl.u32 s7, $0x3  }
0xb: {  	s10 =	sshrl.u32 s10, $0x3;
	s16 =	sadd.s32 $0x29A00, s8;
	s11 =	sadd.s32 s7, s5  }
0xc: {  	s7 =	ssub.s32 s9, s30;
	s5 =	sadd.s32 s6, s15;
	s6 =	sor.u32 $0x1C02, s31  }
0xd: {  	s15 =	sadd.s32 s15, s16;
	s16 =	simm.s32 $0x0;
	s7 =	smax.u32 s7, $0x1  }
0xe: {  	s8 =	sadd.s32 $0xC000, s11;
	s9 =	sadd.s32 $0x2000, s11;
	s11 =	simm.s32 $0x2  }
.LBB2_1:
0xf: {  	[spmem:s10], [sflag:s6] =	dma.local [hbm:s5], $0x13C0  }
0x10: {  	_ =	swait.ge [sflag:s11], $0x13C0  }
0x11: {  	[sflag:s11] =	ssyncset.done $0x0  }
0x12: {  	[sflag:s11] =	ssyncadd.s32 $0xFFFFEC40  }
0x13: {  	s17 =	sadd.s32 $0x0, s9;
	[bflag:$0x0] =	sbarrier.arrive $0xFFFF  }
0x14: {  	[tilespmem:s3], [sflag:$0x2] =	stream.linear.gather [hbm4b:s17+s3], $0x80, $0x38;
	[tilespmem:$0xBF00] =	vst v63  }
0x15: {  	_ =	swait.ge [sflag:s11], $0x80  }
0x16: {  	[sflag:s11] =	ssyncset.done $0x0  }
0x17: {  	[sflag:s11] =	ssyncadd.s32 $0xFFFFFF80  }
0x18: {  	[tilespmem:s13], [sflag:$0x1] =	stream.indirect.gather [hbm4b:s4+s12], $0x40, s3, s12, $0xb8;
	[tilespmem:$0xBF00] =	vst v63  }
0x19: {  	_ =	swait.ge [sflag:s14], $0x2000  }
0x1a: {  	[sflag:s14] =	ssyncset.done $0x0  }
0x1b: {  	s31 =	sadd.s32 $0x0, s8;
	[sflag:s14] =	ssyncadd.s32 $0xFFFFE000  }
0x1c: {  	[tilespmem:s12], [sflag:$0x2] =	stream.linear.gather [hbm4b:s31+s3], $0x80, $0x38;
	[tilespmem:$0xBF00] =	vst v63  }
0x1d: {  	_ =	swait.ge [sflag:s11], $0x80  }
0x1e: {  	[sflag:s11] =	ssyncset.done $0x0  }
0x1f: {  	[sflag:s11] =	ssyncadd.s32 $0xFFFFFF80  }
0x20: {  	[spmem:s2] =	stream.indirect.scatter.add.f32 [tilespmem:s13], [sflag:$0x2], $0x40, s12, s12, $0xb8;
	[tilespmem:$0xBF00] =	vst v63  }
0x21: {  	_ =	swait.ge [sflag:s11], $0x2000  }
0x22: {  	s18 =	simm.s32 $0x20;
	s17 =	simm.s32 $0x10;
	[sflag:s11] =	ssyncset.done $0x0  }
.LBB2_2:
0x23: {  	s19 =	sadd.s32 s17, s9  }
0x24: {  	[sflag:s11] =	ssyncadd.s32 $0xFFFFE000;
	s20 =	smov.u32 s18;
	s21 =	sadd.s32 $0x10, s18  }
0x25: {  	[tilespmem:s3], [sflag:$0x2] =	stream.linear.gather [hbm4b:s19+s3], $0x80, $0x38;
	[tilespmem:$0xBF00] =	vst v63  }
0x26: {  	p0 =	sne.s32 s18, $0x4F0;
	_ =	swait.ge [sflag:s11], $0x80  }
0x27: {  	[sflag:s11] =	ssyncset.done $0x0  }
0x28: {  	[sflag:s11] =	ssyncadd.s32 $0xFFFFFF80  }
0x29: {  	[tilespmem:s13], [sflag:$0x1] =	stream.indirect.gather [hbm4b:s4+s12], $0x40, s3, s12, $0xb8;
	[tilespmem:$0xBF00] =	vst v63  }
0x2a: {  	_ =	swait.ge [sflag:s14], $0x2000  }
0x2b: {  	[sflag:s14] =	ssyncset.done $0x0  }
0x2c: {  	s18 =	sadd.s32 s17, s8;
	s17 =	smov.u32 s20;
	[sflag:s14] =	ssyncadd.s32 $0xFFFFE000  }
0x2d: {  	[tilespmem:s12], [sflag:$0x2] =	stream.linear.gather [hbm4b:s18+s3], $0x80, $0x38;
	[tilespmem:$0xBF00] =	vst v63  }
0x2e: {  	_ =	swait.ge [sflag:s11], $0x80  }
.Ltmp0:
0x2f: {  	[sflag:s11] =	ssyncset.done $0x0;
	(pc) =	sbr.rel @p0 .LBB2_2-.Ltmp0, $4  }
0x30: {  	[sflag:s11] =	ssyncadd.s32 $0xFFFFFF80  }
0x31: {  	[spmem:s2] =	stream.indirect.scatter.add.f32 [tilespmem:s13], [sflag:$0x2], $0x40, s12, s12, $0xb8;
	[tilespmem:$0xBF00] =	vst v63  }
0x32: {  	_ =	swait.ge [sflag:s11], $0x2000  }
0x33: {  	s18 =	smov.u32 s21;
	[sflag:s11] =	ssyncset.done $0x0  }
0x34: {  	s18 =	sadd.s32 s17, s9;
	[sflag:s11] =	ssyncadd.s32 $0xFFFFE000  }
0x35: {  	[tilespmem:s3], [sflag:$0x2] =	stream.linear.gather [hbm4b:s18+s3], $0x80, $0x38;
	[tilespmem:$0xBF00] =	vst v63  }
0x36: {  	_ =	swait.ge [sflag:s11], $0x80  }
0x37: {  	[sflag:s11] =	ssyncset.done $0x0  }
0x38: {  	[sflag:s11] =	ssyncadd.s32 $0xFFFFFF80  }
0x39: {  	[tilespmem:s13], [sflag:$0x1] =	stream.indirect.gather [hbm4b:s4+s12], $0x40, s3, s12, $0xb8;
	[tilespmem:$0xBF00] =	vst v63  }
0x3a: {  	_ =	swait.ge [sflag:s14], $0x2000  }
0x3b: {  	[sflag:s14] =	ssyncset.done $0x0  }
0x3c: {  	s31 =	sadd.s32 s17, s8;
	[sflag:s14] =	ssyncadd.s32 $0xFFFFE000  }
0x3d: {  	[tilespmem:s12], [sflag:$0x2] =	stream.linear.gather [hbm4b:s31+s3], $0x80, $0x38;
	[tilespmem:$0xBF00] =	vst v63  }
0x3e: {  	_ =	swait.ge [sflag:s11], $0x80  }
0x3f: {  	[sflag:s11] =	ssyncset.done $0x0  }
0x40: {  	[sflag:s11] =	ssyncadd.s32 $0xFFFFFF80  }
0x41: {  	[spmem:s2] =	stream.indirect.scatter.add.f32 [tilespmem:s13], [sflag:$0x2], $0x40, s12, s12, $0xb8;
	[tilespmem:$0xBF00] =	vst v63  }
0x42: {  	_ =	swait.ge [sflag:s11], $0x2000  }
0x43: {  	s16 =	sadd.s32 $0x1, s16;
	[sflag:s11] =	ssyncset.done $0x0  }
0x44: {  	p0 =	sne.s32 s16, s7;
	[sflag:s11] =	ssyncadd.s32 $0xFFFFE000  }
.Ltmp1:
0x45: {  	[bflag:$0x0] =	sbarrier.arrive $0xFFFF;
	(pc) =	sbr.rel @p0 .LBB2_1-.Ltmp1, $4  }
0x46: {  	[hbm:s15], [sflag:s6] =	dma.local [spmem:s10], $0x13C0  }
0x47: {  	_ =	swait.ge [sflag:s11], $0x13C0  }
0x48: {  	[sflag:s11] =	ssyncset.done $0x0  }
0x49: {  	[sflag:s11] =	ssyncadd.s32 $0xFFFFEC40  }
0x4a: {  	_ =	sfence.sel $0x180000  }
0x4b: {  	[bflag:$0x0] =	sbarrier.arrive $0xFFFF  }
0x4c: {  	p0 =	sne.s32 s1, $0x0;
	_ =	strace $0x9000004D  }
0x4d: {  	s0 =	sadd.s32 @!p0 $0x100000, s0;
	[bflag:$0x2] =	sbarrier.arrive $0xFFFF  }
0x4e: {  	[sflag:s0] =	ssyncadd.tile.s32 @!p0 $0x1;
	_ =	shalt  }
.Lfunc_end2:
_tile_overlayer_lowered:
.L_overlay_start_2:
0x4f: {  	(tag) =	ssettag $0x2  }
0x50: {  	s0 =	rddreg [dreg:$0x0];
	s2 =	stileid.u32  }
0x51: {  	s1 =	rddreg [dreg:$0x1];
	p0 =	sne.s32 s2, $0x0  }
0x52: {  	s3 =	rddreg [dreg:$0x2];
	[bflag:$0x3] =	sbarrier.arrive $0xFFFF;
	s2 =	simm.s32 @!p0 $0x1C02  }
0x53: {  	[timem:s3], [sflag:s2] =	dma.local @!p0 [hbm:s0], s1  }
0x54: {  	s0 =	simm.s32 @!p0 $0x2  }
0x55: {  	_ =	swait.ge @!p0 [sflag:s0], s1  }
0x56: {  	s1 =	ssub.s32 @!p0 $0x0, s1;
	[sflag:s0] =	ssyncset.done @!p0 $0x0  }
0x57: {  	[sflag:s0] =	ssyncadd.s32 @!p0 s1  }
0x58: {  	[bflag:$0x3] =	sbarrier.arrive $0xFFFF  }
0x59: {  	_ =	shalt  }

// kernel: kernel.8.cloned.1.call-start
scs
__scs_entry_jumppad:
0x0: {  	(pc) =	sbr.rel $0x88, $3  }
0x1: {  	(tag) =	ssettag $0x0;
	lr =	simm.s32 $0x1  }
0x2: {  	[smem:$0x3F9B] =	sst lr;
	_ =	strace $0xD0000000  }
0x3: {  	_ = 	snop  }
0x4: {  	_ = 	snop  }
0x5: {  	_ = 	snop  }
0x6: {  	_ = 	snop  }
0x7: {  	_ = 	snop  }
__scs_overlays_trampoline_lowered:
0x8: {  	[smem:$0x3FAA] =	sst s0  }
0x9: {  	[smem:$0x3FAB] =	sst s1  }
0xa: {  	[smem:$0x3FAC] =	sst s2  }
0xb: {  	[smem:$0x3FAD] =	sst s3  }
0xc: {  	[smem:$0x3FAE] =	sst s4  }
0xd: {  	[smem:$0x3FAF] =	sst s5  }
0xe: {  	[smem:$0x3FB0] =	sst s6  }
0xf: {  	[smem:$0x3FB1] =	sst s7  }
0x10: {  	[smem:$0x3FB2] =	sst s8  }
0x11: {  	[smem:$0x3FB3] =	sst s9;
	s0 =	simm.s32 @!p0 $0x0  }
0x12: {  	s1 =	sld [smem:$0x3F99];
	s0 =	simm.s32 @p0 $0x1  }
0x13: {  	[smem:$0x3FB4] =	sst s0;
	s0 =	simm.s32 @!p1 $0x0  }
0x14: {  	s2 =	sld [smem:$0x3F98];
	s0 =	simm.s32 @p1 $0x1  }
0x15: {  	[smem:$0x3FB5] =	sst s0;
	s0 =	simm.s32 @!p2 $0x0  }
0x16: {  	s3 =	sld [smem:$0x3FDB];
	s0 =	simm.s32 @p2 $0x1  }
0x17: {  	s4 =	simm.s32 $0x1BF5;
	[smem:$0x3FB7] =	sst s0  }
0x18: {  	s0 =	sld [smem:$0x3F9A];
	_ =	swait.ge [sflag:s4], $0x0  }
0x19: {  	s7 =	sld [smem:$0x3F9B]  }
0x1a: {  	s8 =	sadd.s32 $0xFFFFE003, lr  }
0x1b: {  	s9 =	sadd.s32 $0xFFFFFEF7, lr;
	s5 =	simm.s32 $0xFFFFFFFF;
	p2 =	slt.u32 s8, $0xFFFFF086  }
0x1c: {  	p1 =	slt.u32 s9, $0xF7A;
	s5 =	simm.s32 @!p2 $0x0  }
0x1d: {  	s5 =	simm.s32 @p1 $0x1;
	p0 =	seq.s32 s7, s2  }
0x1e: {  	s7 =	smul.u32 @!p0 $0xF7A, s2;
	p2 =	seq.s32 @!p0 s5, $0x0  }
0x1f: {  	s9 =	smul.u32 $0xF7A, s1;
	s8 =	simm.s32 @!p0 $0x1BF5;
	p2 =	por !p2, p0  }
0x20: {  	[sflag:s8] =	ssyncset.s32 @!p0 $0xFFFFF086;
	s6 =	sadd.s32 @!p0 s3, s7;
	s7 =	simm.s32 @!p0 $0x108  }
0x21: {  	s3 =	sadd.s32 s3, s9;
	s6 =	sadd.s32 @!p0 $0x88, s6;
	s7 =	simm.s32 @p2 $0x1082  }
0x22: {  	[simem:s7], [sflag:s8] =	dma.local @!p0 [hbm:s6], $0xF7A  }
0x23: {  	s9 =	sor.u32 $0xD0000000, s2;
	s6 =	simm.s32 $0x108;
	_ =	swait.ge @!p0 [sflag:s8], $0x0  }
0x24: {  	s3 =	sadd.s32 $0x88, s3;
	s6 =	simm.s32 @!p1 $0x1082;
	[sflag:s4] =	ssyncset.s32 $0xFFFFF086  }
0x25: {  	[simem:s6], [sflag:s4] =	dma.local [hbm:s3], $0xF7A  }
0x26: {  	[smem:$0x3F9B] =	sst s1;
	(tag) =	ssettag s2;
	_ =	strace s9  }
0x27: {  	s1 =	sld [smem:$0x3FAB]  }
0x28: {  	s2 =	sld [smem:$0x3FAC]  }
0x29: {  	s4 =	sld [smem:$0x3FAE]  }
0x2a: {  	p0 =	seq.s32 s5, $0x0;
	s5 =	sld [smem:$0x3FAF]  }
0x2b: {  	s6 =	sld [smem:$0x3FB0]  }
0x2c: {  	s7 =	sld [smem:$0x3FB1]  }
0x2d: {  	s3 =	simm.s32 $0x108;
	s8 =	sld [smem:$0x3FB2]  }
0x2e: {  	s3 =	simm.s32 @!p0 $0x1082;
	s9 =	sld [smem:$0x3FB3]  }
0x2f: {  	lr =	sadd.s32 s0, s3;
	s0 =	sld [smem:$0x3FAA]  }
0x30: {  	s3 =	sld [smem:$0x3FAD]  }
0x31: {  	[smem:$0x3FB6] =	sst s10  }
0x32: {  	s10 =	sld [smem:$0x3FB4];
	_ =	sdelay $0x3  }
0x33: {  	p0 =	seq.s32 s10, $0x1;
	s10 =	sld [smem:$0x3FB6];
	_ =	sdelay $0x3  }
0x34: {  	[smem:$0x3FB6] =	sst s10  }
0x35: {  	s10 =	sld [smem:$0x3FB5];
	_ =	sdelay $0x3  }
0x36: {  	p1 =	seq.s32 s10, $0x1;
	s10 =	sld [smem:$0x3FB6];
	_ =	sdelay $0x3  }
0x37: {  	[smem:$0x3FB6] =	sst s10  }
0x38: {  	s10 =	sld [smem:$0x3FB7]  }
0x39: {  	_ = 	snop;
	(pc) =	sbr.ind lr, $3  }
0x3a: {  	_ = 	snop  }
0x3b: {  	_ = 	snop  }
0x3c: {  	p2 =	seq.s32 s10, $0x1;
	s10 =	sld [smem:$0x3FB6]  }
0x3d: {  	_ =	shalt  }
0x3e: {  	_ =	shalt  }
0x3f: {  	_ =	shalt  }
0x40: {  	_ =	shalt  }
0x41: {  	_ =	shalt  }
0x42: {  	_ =	shalt  }
0x43: {  	_ =	shalt  }
0x44: {  	_ =	shalt  }
0x45: {  	_ =	shalt  }
0x46: {  	_ =	shalt  }
0x47: {  	_ =	shalt  }
0x48: {  	_ =	shalt  }
0x49: {  	_ =	shalt  }
0x4a: {  	_ =	shalt  }
0x4b: {  	_ =	shalt  }
0x4c: {  	_ =	shalt  }
0x4d: {  	_ =	shalt  }
0x4e: {  	_ =	shalt  }
0x4f: {  	_ =	shalt  }
0x50: {  	_ =	shalt  }
0x51: {  	_ =	shalt  }
0x52: {  	_ =	shalt  }
0x53: {  	_ =	shalt  }
0x54: {  	_ =	shalt  }
0x55: {  	_ =	shalt  }
0x56: {  	_ =	shalt  }
0x57: {  	_ =	shalt  }
0x58: {  	_ =	shalt  }
0x59: {  	_ =	shalt  }
0x5a: {  	_ =	shalt  }
0x5b: {  	_ =	shalt  }
0x5c: {  	_ =	shalt  }
0x5d: {  	_ =	shalt  }
0x5e: {  	_ =	shalt  }
0x5f: {  	_ =	shalt  }
0x60: {  	_ =	shalt  }
0x61: {  	_ =	shalt  }
0x62: {  	_ =	shalt  }
0x63: {  	_ =	shalt  }
0x64: {  	_ =	shalt  }
0x65: {  	_ =	shalt  }
0x66: {  	_ =	shalt  }
0x67: {  	_ =	shalt  }
0x68: {  	_ =	shalt  }
0x69: {  	_ =	shalt  }
0x6a: {  	_ =	shalt  }
0x6b: {  	_ =	shalt  }
0x6c: {  	_ =	shalt  }
0x6d: {  	_ =	shalt  }
0x6e: {  	_ =	shalt  }
0x6f: {  	_ =	shalt  }
0x70: {  	_ =	shalt  }
0x71: {  	_ =	shalt  }
0x72: {  	_ =	shalt  }
0x73: {  	_ =	shalt  }
0x74: {  	_ =	shalt  }
0x75: {  	_ =	shalt  }
0x76: {  	_ =	shalt  }
0x77: {  	_ =	shalt  }
0x78: {  	_ =	shalt  }
0x79: {  	_ =	shalt  }
0x7a: {  	_ =	shalt  }
0x7b: {  	_ =	shalt  }
0x7c: {  	_ =	shalt  }
0x7d: {  	_ =	shalt  }
0x7e: {  	_ =	shalt  }
0x7f: {  	_ =	shalt  }
0x80: {  	_ =	shalt  }
0x81: {  	_ =	shalt  }
0x82: {  	_ =	shalt  }
0x83: {  	_ =	shalt  }
0x84: {  	_ =	shalt  }
0x85: {  	_ =	shalt  }
0x86: {  	_ =	shalt  }
0x87: {  	_ =	shalt  }
.Lfunc_end0:
.L_simem_size_0:
called_computation_lowered:
.L_overlay_start_0:
0x88: {  	s2 =	sld [smem:$0x3FD9]  }
0x89: {  	s3 =	sld [smem:$0x3FFE];
	_ =	sdelay $0x1  }
0x8a: {  	s1 =	srdreg.scid  }
0x8b: {  	s0 =	sand.u32 $0x1, s1  }
0x8c: {  	s16 =	sshll.u32 s0, $0xA;
	s2 =	sadd.s32 s3, s2  }
0x8d: {  	s2 =	sadd.s32 s2, s16  }
0x8e: {  	[smem:$0x3FC2] =	sst s2  }
0x8f: {  	_ = 	snop  }
0x90: {  	(tm) =	ssettm $0x1  }
0x91: {  	s17 =	sld [smem:$0x3FFB];
	_ =	sdelay $0x3  }
0x92: {  	_ =	strace s17  }
0x93: {  	s2 =	sld [smem:$0x3FFC];
	_ =	sdelay $0x3  }
0x94: {  	_ =	strace s2  }
0x95: {  	s2 =	sld [smem:$0x3FFD];
	_ =	sdelay $0x3  }
0x96: {  	_ =	strace s2  }
0x97: {  	_ =	strace $0x8FFFFFFF  }
0x98: {  	s18 =	sld [smem:$0x3FDB];
	_ =	sdelay $0x1  }
0x99: {  	s19 =	simm.s32 $_scs_section_size  }
0x9a: {  	s4 =	simm.s32 $_size__tile_overlayer_lowered;
	s5 =	simm.s32 $_tile_overlayer_lowered  }
0x9b: {  	s22 =	simm.s32 $0x1BFF;
	s21 =	sshll.u32 s5, $0x1;
	s2 =	sadd.s32 s19, s18  }
0x9c: {  	s6 =	simm.s32 $0x0;
	s20 =	sshll.u32 s4, $0x1;
	s4 =	sadd.s32 s21, s2  }
0x9d: {  	[timem:s6], [sflag:s22] =	dma.local [hbm:s4], s20  }
0x9e: {  	_ =	swait.ge [sflag:s22], s20  }
0x9f: {  	s3 =	ssub.s32 $0x0, s20;
	[sflag:s22] =	ssyncset.done $0x0  }
0xa0: {  	[sflag:s22] =	ssyncadd.s32 s3;
	_ =	sdelay $0x1  }
0xa1: {  	s23 =	simm.s32 $0x1B8B  }
0xa2: {  	_ =	swait.ge [sflag:s23], $0x1  }
0xa3: {  	[sflag:s23] =	ssyncset.done $0x0  }
0xa4: {  	s25 =	simm.s32 $0x1B8E;
	s24 =	sld [smem:$0x3FFE];
	[sflag:s23] =	ssyncadd.s32 $0xFFFFFFFF  }
0xa5: {  	s26 =	simm.s32 $execute0_lowered;
	[smem:$0x3FD2] =	sst s25  }
0xa6: {  	s4 =	sshll.u32 s26, $0x1;
	_ =	strace $0x80000046;
	[dreg:$0x1] =	wrdreg $0xFFFFFFFF  }
0xa7: {  	s28 =	simm.s32 $_size_execute0_lowered;
	s2 =	sadd.s32 s2, s4;
	[dreg:$0x0] =	wrdreg $0x0  }
0xa8: {  	s4 =	sshll.u32 s28, $0x1;
	[dreg:$0x2] =	wrdreg s2  }
0xa9: {  	[dreg:$0x3] =	wrdreg s4  }
0xaa: {  	[dreg:$0x4] =	wrdreg $0xC0  }
0xab: {  	_ =	task [dreg:s6], $0x5FFFF  }
0xac: {  	[dreg:$0x1] =	wrdreg $0xFFFFFFFF  }
0xad: {  	[dreg:$0x0] =	wrdreg $0x60  }
0xae: {  	[dreg:$0x2] =	wrdreg s24  }
0xaf: {  	[dreg:$0x3] =	wrdreg $0x41000  }
0xb0: {  	[dreg:$0x4] =	wrdreg $0x9  }
0xb1: {  	_ =	task.clear_ibuf [dreg:s6], $0x5FFFF;
	_ =	strace $0x90000046  }
0xb2: {  	s29 =	simm.s32 $0x9;
	_ =	strace $0x80000048  }
0xb3: {  	_ =	swait.ge [sflag:s29], $0x1  }
0xb4: {  	[sflag:s29] =	ssyncadd.s32 $0xFFFFFFFF  }
0xb5: {  	_ =	strace $0x90000048  }
0xb6: {  	_ =	sfence  }
0xb7: {  	s30 =	sld [smem:$0x0];
	_ =	sdelay $0x2  }
0xb8: {  	s31 =	sshll.u32 s1, $0xD;
	s1 =	sshrl.u32 s1, $0x2  }
0xb9: {  	s3 =	sand.u32 $0x4000, s31;
	s1 =	sadd.s32 s1, s30  }
0xba: {  	s0 =	sor.u32 s3, s0;
	s1 =	sshll.u32 s1, $0x11  }
0xbb: {  	s0 =	sor.u32 s1, s0  }
0xbc: {  	s0 =	sadd.s32 $0x8F2B, s0  }
0xbd: {  	[sflag:s0] =	ssyncadd.remote.s32 $0x1  }
0xbe: {  	_ =	sfence.sel $0xFFFF  }
0xbf: {  	[dreg:$0x0] =	wrdreg $0xFFFFFFFF;
	(pc) =	sbr.abs _section_cstart, $3  }
0xc0: {  	[dreg:$0x1] =	wrdreg $0xFFFFFFFF  }
0xc1: {  	_ =	task.clear_ibuf [dreg:s6], $0x2FFFF;
	_ =	strace $0x9FFFFFFF  }
0xc2: {  	(tm) =	ssettm $0x7FFFFFFF  }
0xc3: {  	_ =	shalt  }
tec
execute0_lowered:
.L_overlay_start_1:
0x0: {  	(tag) =	ssettag $0x1  }
0x1: {  	s5 =	rddreg [dreg:$0x0]  }
0x2: {  	s1 =	rddreg [dreg:$0x1];
	s3 =	srdreg.scid  }
0x3: {  	s0 =	rddreg [dreg:$0x2];
	s6 =	sand.u32 $0x1, s3  }
0x4: {  	s2 =	simm.s32 $0x0;
	s3 =	stileid.u32;
	s7 =	smul.u32 $0x5000, s6  }
0x5: {  	s13 =	simm.s32 $0x100;
	s14 =	simm.s32 $0x1;
	s15 =	smul.u32 $0x2780, s3  }
0x6: {  	[smem:$0x7FF] =	sst s2;
	s4 =	sadd.s32 $0x3D800, s5;
	s8 =	smul.u32 $0x27800, s6  }
0x7: {  	_ =	strace $0x80000047;
	s6 =	ssub.s32 $0x2, s6;
	s10 =	smul.u32 $0x4F000, s3  }
0x8: {  	s30 =	sshll.u32 s3, $0x6;
	s31 =	smul.u32 $0x500, s3;
	s28 =	sshrl.u32 s6, $0x1  }
0x9: {  	s9 =	sadd.s32 s7, s5;
	s11 =	sadd.s32 s15, s5;
	s8 =	sadd.s32 s8, s5  }
0xa: {  	s7 =	ssub.s32 s6, s28;
	s29 =	sshrl.u32 s10, $0x2;
	s6 =	sor.u32 $0x1C02, s30  }
0xb: {  	s12 =	sadd.s32 s29, s1;
	s5 =	sadd.s32 $0x16000, s11;
	s16 =	sadd.s32 $0x64A00, s8  }
0xc: {  	s7 =	smax.u32 s7, $0x1;
	s9 =	sadd.s32 s31, s9;
	s11 =	simm.s32 $0x2  }
0xd: {  	s8 =	sadd.s32 $0xC000, s9;
	s9 =	sadd.s32 $0x2000, s9;
	s10 =	sshrl.u32 s12, $0x3  }
0xe: {  	s12 =	simm.s32 $0x80;
	s15 =	sadd.s32 s15, s16;
	s16 =	simm.s32 $0x0  }
.LBB2_1:
0xf: {  	[spmem:s10], [sflag:s6] =	dma.local [hbm:s5], $0x2780  }
0x10: {  	_ =	swait.ge [sflag:s11], $0x2780  }
0x11: {  	[sflag:s11] =	ssyncset.done $0x0  }
0x12: {  	[sflag:s11] =	ssyncadd.s32 $0xFFFFD880  }
0x13: {  	s17 =	sadd.s32 $0x0, s9;
	[bflag:$0x0] =	sbarrier.arrive $0xFFFF  }
0x14: {  	[tilespmem:s2], [sflag:$0x2] =	stream.linear.gather [hbm4b:s17+s2], $0x80, $0x38;
	[tilespmem:$0x17D00] =	vst v63  }
0x15: {  	_ =	swait.ge [sflag:s11], $0x80  }
0x16: {  	[sflag:s11] =	ssyncset.done $0x0  }
0x17: {  	[sflag:s11] =	ssyncadd.s32 $0xFFFFFF80  }
0x18: {  	[tilespmem:s13], [sflag:$0x1] =	stream.indirect.gather [hbm4b:s4+s12], $0x80, s2, s12, $0xb8;
	[tilespmem:$0x17D00] =	vst v63  }
0x19: {  	_ =	swait.ge [sflag:s14], $0x4000  }
0x1a: {  	[sflag:s14] =	ssyncset.done $0x0  }
0x1b: {  	s31 =	sadd.s32 $0x0, s8;
	[sflag:s14] =	ssyncadd.s32 $0xFFFFC000  }
0x1c: {  	[tilespmem:s12], [sflag:$0x2] =	stream.linear.gather [hbm4b:s31+s2], $0x80, $0x38;
	[tilespmem:$0x17D00] =	vst v63  }
0x1d: {  	_ =	swait.ge [sflag:s11], $0x80  }
0x1e: {  	[sflag:s11] =	ssyncset.done $0x0  }
0x1f: {  	[sflag:s11] =	ssyncadd.s32 $0xFFFFFF80  }
0x20: {  	[spmem:s1] =	stream.indirect.scatter.add.f32 [tilespmem:s13], [sflag:$0x2], $0x80, s12, s12, $0xb8;
	[tilespmem:$0x17D00] =	vst v63  }
0x21: {  	_ =	swait.ge [sflag:s11], $0x4000  }
0x22: {  	s18 =	simm.s32 $0x20;
	s17 =	simm.s32 $0x10;
	[sflag:s11] =	ssyncset.done $0x0  }
.LBB2_2:
0x23: {  	s19 =	sadd.s32 s17, s9  }
0x24: {  	[sflag:s11] =	ssyncadd.s32 $0xFFFFC000;
	s20 =	smov.u32 s18;
	s21 =	sadd.s32 $0x10, s18  }
0x25: {  	[tilespmem:s2], [sflag:$0x2] =	stream.linear.gather [hbm4b:s19+s2], $0x80, $0x38;
	[tilespmem:$0x17D00] =	vst v63  }
0x26: {  	p0 =	sne.s32 s18, $0x4F0;
	_ =	swait.ge [sflag:s11], $0x80  }
0x27: {  	[sflag:s11] =	ssyncset.done $0x0  }
0x28: {  	[sflag:s11] =	ssyncadd.s32 $0xFFFFFF80  }
0x29: {  	[tilespmem:s13], [sflag:$0x1] =	stream.indirect.gather [hbm4b:s4+s12], $0x80, s2, s12, $0xb8;
	[tilespmem:$0x17D00] =	vst v63  }
0x2a: {  	_ =	swait.ge [sflag:s14], $0x4000  }
0x2b: {  	[sflag:s14] =	ssyncset.done $0x0  }
0x2c: {  	s18 =	sadd.s32 s17, s8;
	s17 =	smov.u32 s20;
	[sflag:s14] =	ssyncadd.s32 $0xFFFFC000  }
0x2d: {  	[tilespmem:s12], [sflag:$0x2] =	stream.linear.gather [hbm4b:s18+s2], $0x80, $0x38;
	[tilespmem:$0x17D00] =	vst v63  }
0x2e: {  	_ =	swait.ge [sflag:s11], $0x80  }
.Ltmp0:
0x2f: {  	[sflag:s11] =	ssyncset.done $0x0;
	(pc) =	sbr.rel @p0 .LBB2_2-.Ltmp0, $4  }
0x30: {  	[sflag:s11] =	ssyncadd.s32 $0xFFFFFF80  }
0x31: {  	[spmem:s1] =	stream.indirect.scatter.add.f32 [tilespmem:s13], [sflag:$0x2], $0x80, s12, s12, $0xb8;
	[tilespmem:$0x17D00] =	vst v63  }
0x32: {  	_ =	swait.ge [sflag:s11], $0x4000  }
0x33: {  	s18 =	smov.u32 s21;
	[sflag:s11] =	ssyncset.done $0x0  }
0x34: {  	s18 =	sadd.s32 s17, s9;
	[sflag:s11] =	ssyncadd.s32 $0xFFFFC000  }
0x35: {  	[tilespmem:s2], [sflag:$0x2] =	stream.linear.gather [hbm4b:s18+s2], $0x80, $0x38;
	[tilespmem:$0x17D00] =	vst v63  }
0x36: {  	_ =	swait.ge [sflag:s11], $0x80  }
0x37: {  	[sflag:s11] =	ssyncset.done $0x0  }
0x38: {  	[sflag:s11] =	ssyncadd.s32 $0xFFFFFF80  }
0x39: {  	[tilespmem:s13], [sflag:$0x1] =	stream.indirect.gather [hbm4b:s4+s12], $0x80, s2, s12, $0xb8;
	[tilespmem:$0x17D00] =	vst v63  }
0x3a: {  	_ =	swait.ge [sflag:s14], $0x4000  }
0x3b: {  	[sflag:s14] =	ssyncset.done $0x0  }
0x3c: {  	s31 =	sadd.s32 s17, s8;
	[sflag:s14] =	ssyncadd.s32 $0xFFFFC000  }
0x3d: {  	[tilespmem:s12], [sflag:$0x2] =	stream.linear.gather [hbm4b:s31+s2], $0x80, $0x38;
	[tilespmem:$0x17D00] =	vst v63  }
0x3e: {  	_ =	swait.ge [sflag:s11], $0x80  }
0x3f: {  	[sflag:s11] =	ssyncset.done $0x0  }
0x40: {  	[sflag:s11] =	ssyncadd.s32 $0xFFFFFF80  }
0x41: {  	[spmem:s1] =	stream.indirect.scatter.add.f32 [tilespmem:s13], [sflag:$0x2], $0x80, s12, s12, $0xb8;
	[tilespmem:$0x17D00] =	vst v63  }
0x42: {  	_ =	swait.ge [sflag:s11], $0x4000  }
0x43: {  	s16 =	sadd.s32 $0x1, s16;
	[sflag:s11] =	ssyncset.done $0x0  }
0x44: {  	p0 =	sne.s32 s16, s7;
	[sflag:s11] =	ssyncadd.s32 $0xFFFFC000  }
.Ltmp1:
0x45: {  	[bflag:$0x0] =	sbarrier.arrive $0xFFFF;
	(pc) =	sbr.rel @p0 .LBB2_1-.Ltmp1, $4  }
0x46: {  	[hbm:s15], [sflag:s6] =	dma.local [spmem:s10], $0x2780  }
0x47: {  	_ =	swait.ge [sflag:s11], $0x2780  }
0x48: {  	[sflag:s11] =	ssyncset.done $0x0  }
0x49: {  	[sflag:s11] =	ssyncadd.s32 $0xFFFFD880  }
0x4a: {  	_ =	sfence.sel $0x180000  }
0x4b: {  	[bflag:$0x0] =	sbarrier.arrive $0xFFFF  }
0x4c: {  	p0 =	sne.s32 s3, $0x0;
	_ =	strace $0x90000047  }
0x4d: {  	s0 =	sadd.s32 @!p0 $0x100000, s0;
	[bflag:$0x2] =	sbarrier.arrive $0xFFFF  }
0x4e: {  	[sflag:s0] =	ssyncadd.tile.s32 @!p0 $0x1;
	_ =	shalt  }
.Lfunc_end2:
_tile_overlayer_lowered:
.L_overlay_start_2:
0x4f: {  	(tag) =	ssettag $0x2  }
0x50: {  	s0 =	rddreg [dreg:$0x0];
	s2 =	stileid.u32  }
0x51: {  	s1 =	rddreg [dreg:$0x1];
	p0 =	sne.s32 s2, $0x0  }
0x52: {  	s3 =	rddreg [dreg:$0x2];
	[bflag:$0x3] =	sbarrier.arrive $0xFFFF;
	s2 =	simm.s32 @!p0 $0x1C02  }
0x53: {  	[timem:s3], [sflag:s2] =	dma.local @!p0 [hbm:s0], s1  }
0x54: {  	s0 =	simm.s32 @!p0 $0x2  }
0x55: {  	_ =	swait.ge @!p0 [sflag:s0], s1  }
0x56: {  	s1 =	ssub.s32 @!p0 $0x0, s1;
	[sflag:s0] =	ssyncset.done @!p0 $0x0  }
0x57: {  	[sflag:s0] =	ssyncadd.s32 @!p0 s1  }
0x58: {  	[bflag:$0x3] =	sbarrier.arrive $0xFFFF  }
0x59: {  	_ =	shalt  }

</sc_bundles>
